<compile_context>
chip_gen: v7x
topology: tpu7x:2x2x1
jax: 0.10.2.dev20260603
libtpu: 0.0.44.dev20260713+nightly
codegen_flags: <defaults>
</compile_context>

<pallas_src>
import functools

import jax
import jax.numpy as jnp
from jax import lax
from jax.experimental import pallas as pl
from jax.experimental.pallas import tpu as pltpu
from jax.experimental.pallas import tpu_sc as plsc

_NC = 2
_NS = 16
_NW = _NC * _NS
_L = 16

_CH = 64

_GDN = lax.GatherDimensionNumbers(
    offset_dims=(), collapsed_slice_dims=(0,), start_index_map=(0,))


def _perm(x, idx):
    return lax.gather(x, idx[:, None], _GDN, (1,),
                      mode=lax.GatherScatterMode.PROMISE_IN_BOUNDS)

def _sc_score(user_ids, pos_ids, neg_ids, X, YT):
    B = user_ids.shape[0]
    K = X.shape[1]
    assert K == 128
    bpw = B // _NW
    nch = bpw // _CH
    ngrp = _CH // _L

    mesh = plsc.VectorSubcoreMesh(core_axis_name="c", subcore_axis_name="s")

    @functools.partial(
        pl.kernel,
        mesh=mesh,
        out_type=jax.ShapeDtypeStruct((B,), jnp.float32),
        scratch_types=[
            pltpu.VMEM((bpw,), jnp.int32),
            pltpu.VMEM((bpw,), jnp.int32),
            pltpu.VMEM((bpw,), jnp.int32),
            pltpu.VMEM((_CH, 128), jnp.float32),
            pltpu.VMEM((_CH, 128), jnp.float32),
            pltpu.VMEM((_CH, 128), jnp.float32),
            pltpu.VMEM((_CH, 128), jnp.float32),
            pltpu.VMEM((_CH, 128), jnp.float32),
            pltpu.VMEM((_CH, 128), jnp.float32),
            pltpu.VMEM((bpw,), jnp.float32),
            pltpu.VMEM((_CH // 2 * _L,), jnp.float32),
            pltpu.SemaphoreType.DMA,
            pltpu.SemaphoreType.DMA,
            pltpu.SemaphoreType.DMA,
        ],
    )
    def k(uid_hbm, pid_hbm, nid_hbm, x_hbm, yt_hbm, out_hbm,
          uix, pix, nix, ua, pa, na, ub2, pb2, nb2, ob, pairbuf,
          sem_i, sem_a, sem_b):
        wid = lax.axis_index("s") * _NC + lax.axis_index("c")
        base = wid * bpw

        c1 = pltpu.async_copy(uid_hbm.at[pl.ds(base, bpw)], uix, sem_i)
        c2 = pltpu.async_copy(pid_hbm.at[pl.ds(base, bpw)], pix, sem_i)
        c3 = pltpu.async_copy(nid_hbm.at[pl.ds(base, bpw)], nix, sem_i)
        c1.wait()
        c2.wait()
        c3.wait()

        bufs = ((ua, pa, na, sem_a), (ub2, pb2, nb2, sem_b))

        def launch(cc, parity):
            u, p, n, sem = bufs[parity]
            off = pl.ds(cc * _CH, _CH)
            pltpu.async_copy(x_hbm.at[uix.at[off]], u, sem)
            pltpu.async_copy(yt_hbm.at[pix.at[off]], p, sem)
            pltpu.async_copy(yt_hbm.at[nix.at[off]], n, sem)

        def drain(parity):
            u, p, n, sem = bufs[parity]
            dummy = x_hbm.at[pl.ds(0, _CH)]
            pltpu.make_async_copy(dummy, u, sem).wait()
            pltpu.make_async_copy(dummy, p, sem).wait()
            pltpu.make_async_copy(dummy, n, sem).wait()

        def compute(c, parity):
            u_buf, p_buf, n_buf, _ = bufs[parity]
            lanes = lax.iota(jnp.int32, _L)

            def merge(x, y, m):
                return jnp.where((lanes & m) == 0,
                                 x + _perm(x, lanes ^ m),
                                 y + _perm(y, lanes ^ m))

            def leaf(r):
                def chain(ks):
                    acc = None
                    for k in ks:
                        u = u_buf[r, pl.ds(k * _L, _L)]
                        p_ = p_buf[r, pl.ds(k * _L, _L)]
                        n_ = n_buf[r, pl.ds(k * _L, _L)]
                        t = u * (p_ - n_)
                        acc = t if acc is None else acc + t
                    return acc

                nk = K // _L
                return chain(range(nk // 2)) + chain(range(nk // 2, nk))

            @plsc.parallel_loop(0, _CH // 2, unroll=2)
            def pair_body(j):
                gg = j // 8
                jj = j % 8
                br = ((jj & 1) << 2) | (jj & 2) | ((jj >> 2) & 1)
                r1 = gg * _L + br
                x = leaf(r1)
                y = leaf(r1 + 8)
                pairbuf[pl.ds(j * _L, _L)] = merge(x, y, 8)

            def group_body(g, _):
                v = [pairbuf[pl.ds((g * 8 + i) * _L, _L)]
                     for i in range(8)]
                n0 = merge(v[0], v[1], 4)
                n1 = merge(v[2], v[3], 4)
                n2 = merge(v[4], v[5], 4)
                n3 = merge(v[6], v[7], 4)
                q0 = merge(n0, n1, 2)
                q1 = merge(n2, n3, 2)
                ob[pl.ds(c * _CH + g * _L, _L)] = merge(q0, q1, 1)
                return 0

            lax.fori_loop(0, ngrp, group_body, 0)

        launch(0, 0)

        def chunk_body(c, _):
            even = (c % 2) == 0

            @pl.when(jnp.logical_and(even, c + 1 < nch))
            def _():
                launch(c + 1, 1)

            @pl.when(jnp.logical_and(jnp.logical_not(even), c + 1 < nch))
            def _():
                launch(c + 1, 0)

            @pl.when(even)
            def _():
                drain(0)
                compute(c, 0)

            @pl.when(jnp.logical_not(even))
            def _():
                drain(1)
                compute(c, 1)

            return 0

        lax.fori_loop(0, nch, chunk_body, 0)

        pltpu.sync_copy(ob, out_hbm.at[pl.ds(base, bpw)])

    return k(user_ids, pos_ids, neg_ids, X, YT)


def kernel(user_ids, pos_item_ids, neg_item_ids, X, Y):
    user_ids = user_ids.astype(jnp.int32)
    pos_item_ids = pos_item_ids.astype(jnp.int32)
    neg_item_ids = neg_item_ids.astype(jnp.int32)
    YT = jnp.transpose(Y)
    return _sc_score(user_ids, pos_item_ids, neg_item_ids, X, YT)

# --- scband reference (transcript-rebuilt; emitter-appended) ---
"""Pipeline reference for scband-centralized-cf-58909771431938 (READ-ONLY COPY).

The authoritative reference and input builder live on the scoring server;
editing this copy changes nothing except your own understanding.
"""

import jax, jax.numpy as jnp
import numpy as np

NUM_USERS = 100000
NUM_ITEMS = 100000
K = 128
BATCH = 16384

def setup_inputs(seed: int = 0) -> dict:
    key = jax.random.key(seed)
    k1, k2, k3, k4, k5 = jax.random.split(key, 5)
    user_ids = jax.random.randint(k1, (BATCH,), 0, NUM_USERS, dtype=jnp.int64 if jax.config.jax_enable_x64 else jnp.int32)
    pos_item_ids = jax.random.randint(k2, (BATCH,), 0, NUM_ITEMS, dtype=jnp.int64 if jax.config.jax_enable_x64 else jnp.int32)
    neg_item_ids = jax.random.randint(k3, (BATCH,), 0, NUM_ITEMS, dtype=jnp.int64 if jax.config.jax_enable_x64 else jnp.int32)
    X = jax.random.normal(k4, (NUM_USERS, K), dtype=jnp.float32) * 0.01
    Y = jax.random.normal(k5, (K, NUM_ITEMS), dtype=jnp.float32) * 0.01
    return {"user_ids": user_ids, "pos_item_ids": pos_item_ids, "neg_item_ids": neg_item_ids, "X": X, "Y": Y}

def reference(user_ids, pos_item_ids, neg_item_ids, X, Y):
    # user_vecs = X[user_ids]  -> gather over user table rows
    user_vecs = jnp.take(X, user_ids, axis=0)                 # [B, K]
    # pos_item_vecs = Y[:, pos_item_ids].T -> gather over item table columns then transpose
    pos_item_vecs = jnp.take(Y, pos_item_ids, axis=1).T        # [B, K]
    neg_item_vecs = jnp.take(Y, neg_item_ids, axis=1).T        # [B, K]
    pos_scores = jnp.sum(user_vecs * pos_item_vecs, axis=1)    # [B]
    neg_scores = jnp.sum(user_vecs * neg_item_vecs, axis=1)    # [B]
    return pos_scores - neg_scores

if __name__ == "__main__":
    import jax
    _d = setup_inputs()
    print(jax.jit(kernel)(*tuple(_d.values())))

</pallas_src>

<mosaic_0001>
#map = affine_map<(d0, d1) -> (0)>
#map1 = affine_map<(d0, d1) -> (0, 0)>
module attributes {stable_mosaic.version = 14 : i64} {
  func.func @k(%arg0: i32, %arg1: i32, %arg2: memref<16384xi32, #tpu.memory_space<hbm>>, %arg3: memref<16384xi32, #tpu.memory_space<hbm>>, %arg4: memref<16384xi32, #tpu.memory_space<hbm>>, %arg5: memref<100000x128xf32, #tpu.memory_space<hbm>>, %arg6: memref<100000x128xf32, #tpu.memory_space<hbm>>, %arg7: memref<16384xf32, #tpu.memory_space<hbm>>, %arg8: memref<512xi32, #tpu.memory_space<vmem>>, %arg9: memref<512xi32, #tpu.memory_space<vmem>>, %arg10: memref<512xi32, #tpu.memory_space<vmem>>, %arg11: memref<64x128xf32, #tpu.memory_space<vmem>>, %arg12: memref<64x128xf32, #tpu.memory_space<vmem>>, %arg13: memref<64x128xf32, #tpu.memory_space<vmem>>, %arg14: memref<64x128xf32, #tpu.memory_space<vmem>>, %arg15: memref<64x128xf32, #tpu.memory_space<vmem>>, %arg16: memref<64x128xf32, #tpu.memory_space<vmem>>, %arg17: memref<512xf32, #tpu.memory_space<vmem>>, %arg18: memref<512xf32, #tpu.memory_space<vmem>>, %arg19: memref<!tpu.dma_semaphore, #tpu.memory_space<semaphore_mem>>, %arg20: memref<!tpu.dma_semaphore, #tpu.memory_space<semaphore_mem>>, %arg21: memref<!tpu.dma_semaphore, #tpu.memory_space<semaphore_mem>>) attributes {dimension_semantics = [#tpu.dimension_semantics<core_parallel>, #tpu.dimension_semantics<subcore_parallel>], iteration_bounds = array<i64: 2, 16>, scalar_prefetch = 0 : i64, scratch_operands = 14 : i64, tpu.core_type = #tpu.core_type<sc_vector_subcore>, window_params = [{transform_indices = #map}, {transform_indices = #map}, {transform_indices = #map}, {transform_indices = #map1}, {transform_indices = #map1}, {transform_indices = #map}]} {
    %mul3A = arith.constant 2 : i32
    %mul3A_0 = arith.muli %arg1, %mul3A : i32
    %add3A = arith.addi %mul3A_0, %arg0 : i32
    %mul3A_1 = arith.constant 512 : i32
    %mul3A_2 = arith.muli %add3A, %mul3A_1 : i32
    %dma_start3A = tpu.memref_slice %arg2[%mul3A_2] : memref<16384xi32, #tpu.memory_space<hbm>> -> memref<512xi32, #tpu.memory_space<hbm>>
    %dma_start3A_3 = tpu.memref_slice %arg2[%mul3A_2] : memref<16384xi32, #tpu.memory_space<hbm>> -> memref<512xi32, #tpu.memory_space<hbm>>
    tpu.enqueue_dma source(%dma_start3A_3 : memref<512xi32, #tpu.memory_space<hbm>>) target(%arg8 : memref<512xi32, #tpu.memory_space<vmem>>) target_semaphore(%arg19 : memref<!tpu.dma_semaphore, #tpu.memory_space<semaphore_mem>>)
    %dma_start3A_4 = tpu.memref_slice %arg3[%mul3A_2] : memref<16384xi32, #tpu.memory_space<hbm>> -> memref<512xi32, #tpu.memory_space<hbm>>
    %dma_start3A_5 = tpu.memref_slice %arg3[%mul3A_2] : memref<16384xi32, #tpu.memory_space<hbm>> -> memref<512xi32, #tpu.memory_space<hbm>>
    tpu.enqueue_dma source(%dma_start3A_5 : memref<512xi32, #tpu.memory_space<hbm>>) target(%arg9 : memref<512xi32, #tpu.memory_space<vmem>>) target_semaphore(%arg19 : memref<!tpu.dma_semaphore, #tpu.memory_space<semaphore_mem>>)
    %dma_start3A_6 = tpu.memref_slice %arg4[%mul3A_2] : memref<16384xi32, #tpu.memory_space<hbm>> -> memref<512xi32, #tpu.memory_space<hbm>>
    %dma_start3A_7 = tpu.memref_slice %arg4[%mul3A_2] : memref<16384xi32, #tpu.memory_space<hbm>> -> memref<512xi32, #tpu.memory_space<hbm>>
    tpu.enqueue_dma source(%dma_start3A_7 : memref<512xi32, #tpu.memory_space<hbm>>) target(%arg10 : memref<512xi32, #tpu.memory_space<vmem>>) target_semaphore(%arg19 : memref<!tpu.dma_semaphore, #tpu.memory_space<semaphore_mem>>)
    %dma_wait3A = tpu.memref_slice %arg2[%mul3A_2] : memref<16384xi32, #tpu.memory_space<hbm>> -> memref<512xi32, #tpu.memory_space<hbm>>
    %dma_wait3A_8 = tpu.memref_slice %arg2[%mul3A_2] : memref<16384xi32, #tpu.memory_space<hbm>> -> memref<512xi32, #tpu.memory_space<hbm>>
    tpu.wait_dma2 semaphore(%arg19 : memref<!tpu.dma_semaphore, #tpu.memory_space<semaphore_mem>>) src(%dma_wait3A_8 : memref<512xi32, #tpu.memory_space<hbm>>) dst(%arg8 : memref<512xi32, #tpu.memory_space<vmem>>)
    %dma_wait3A_9 = tpu.memref_slice %arg3[%mul3A_2] : memref<16384xi32, #tpu.memory_space<hbm>> -> memref<512xi32, #tpu.memory_space<hbm>>
    %dma_wait3A_10 = tpu.memref_slice %arg3[%mul3A_2] : memref<16384xi32, #tpu.memory_space<hbm>> -> memref<512xi32, #tpu.memory_space<hbm>>
    tpu.wait_dma2 semaphore(%arg19 : memref<!tpu.dma_semaphore, #tpu.memory_space<semaphore_mem>>) src(%dma_wait3A_10 : memref<512xi32, #tpu.memory_space<hbm>>) dst(%arg9 : memref<512xi32, #tpu.memory_space<vmem>>)
    %dma_wait3A_11 = tpu.memref_slice %arg4[%mul3A_2] : memref<16384xi32, #tpu.memory_space<hbm>> -> memref<512xi32, #tpu.memory_space<hbm>>
    %dma_wait3A_12 = tpu.memref_slice %arg4[%mul3A_2] : memref<16384xi32, #tpu.memory_space<hbm>> -> memref<512xi32, #tpu.memory_space<hbm>>
    tpu.wait_dma2 semaphore(%arg19 : memref<!tpu.dma_semaphore, #tpu.memory_space<semaphore_mem>>) src(%dma_wait3A_12 : memref<512xi32, #tpu.memory_space<hbm>>) dst(%arg10 : memref<512xi32, #tpu.memory_space<vmem>>)
    %dma_start3A_13 = arith.constant 0 : i32
    %dma_start3A_14 = tpu.memref_slice %arg8[%dma_start3A_13] : memref<512xi32, #tpu.memory_space<vmem>> -> memref<64xi32, #tpu.memory_space<vmem>>
    %dma_start3A_15 = arith.constant 0 : i32
    %dma_start3A_16 = arith.constant 0 : i32
    %dma_start3A_17 = tpu.memref_slice %arg5[%dma_start3A_15, %dma_start3A_16] : memref<100000x128xf32, #tpu.memory_space<hbm>> -> memref<100000x128xf32, #tpu.memory_space<hbm>>
    tpu.enqueue_indirect_dma source(%dma_start3A_17 : memref<100000x128xf32, #tpu.memory_space<hbm>>) target(%arg11 : memref<64x128xf32, #tpu.memory_space<vmem>>) offsets(%dma_start3A_14 : memref<64xi32, #tpu.memory_space<vmem>>) semaphore(%arg20 : memref<!tpu.dma_semaphore, #tpu.memory_space<semaphore_mem>>)
    %dma_start3A_18 = arith.constant 0 : i32
    %dma_start3A_19 = tpu.memref_slice %arg9[%dma_start3A_18] : memref<512xi32, #tpu.memory_space<vmem>> -> memref<64xi32, #tpu.memory_space<vmem>>
    %dma_start3A_20 = arith.constant 0 : i32
    %dma_start3A_21 = arith.constant 0 : i32
    %dma_start3A_22 = tpu.memref_slice %arg6[%dma_start3A_20, %dma_start3A_21] : memref<100000x128xf32, #tpu.memory_space<hbm>> -> memref<100000x128xf32, #tpu.memory_space<hbm>>
    tpu.enqueue_indirect_dma source(%dma_start3A_22 : memref<100000x128xf32, #tpu.memory_space<hbm>>) target(%arg12 : memref<64x128xf32, #tpu.memory_space<vmem>>) offsets(%dma_start3A_19 : memref<64xi32, #tpu.memory_space<vmem>>) semaphore(%arg20 : memref<!tpu.dma_semaphore, #tpu.memory_space<semaphore_mem>>)
    %dma_start3A_23 = arith.constant 0 : i32
    %dma_start3A_24 = tpu.memref_slice %arg10[%dma_start3A_23] : memref<512xi32, #tpu.memory_space<vmem>> -> memref<64xi32, #tpu.memory_space<vmem>>
    %dma_start3A_25 = arith.constant 0 : i32
    %dma_start3A_26 = arith.constant 0 : i32
    %dma_start3A_27 = tpu.memref_slice %arg6[%dma_start3A_25, %dma_start3A_26] : memref<100000x128xf32, #tpu.memory_space<hbm>> -> memref<100000x128xf32, #tpu.memory_space<hbm>>
    tpu.enqueue_indirect_dma source(%dma_start3A_27 : memref<100000x128xf32, #tpu.memory_space<hbm>>) target(%arg13 : memref<64x128xf32, #tpu.memory_space<vmem>>) offsets(%dma_start3A_24 : memref<64xi32, #tpu.memory_space<vmem>>) semaphore(%arg20 : memref<!tpu.dma_semaphore, #tpu.memory_space<semaphore_mem>>)
    %scan3A = arith.constant 0 : i32
    %scan3A_28 = arith.constant 0 : i32
    %scan3A_29 = arith.constant 8 : i32
    %scan3A_30 = arith.addi %scan3A_28, %scan3A_29 : i32
    %scan3A_31 = arith.constant 1 : i32
    %scan3A_32 = scf.for %scan3A_34 = %scan3A_28 to %scan3A_30 step %scan3A_31 iter_args(%scan3A_35 = %scan3A) -> (i32)  : i32 {
      %jit3A = arith.constant 2 : i32
      %eq3A = arith.constant 0 : i32
      %eq3A_36 = arith.cmpi eq, %jit3A, %eq3A : i32
      %jit3A_37 = arith.constant 1 : i32
      %select_n3A = arith.select %eq3A_36, %jit3A_37, %jit3A : i32
      %rem3A = arith.remsi %scan3A_34, %select_n3A : i32
      %ne3A = arith.constant 0 : i32
      %ne3A_38 = arith.cmpi ne, %rem3A, %ne3A : i32
      %lt3A = arith.constant 0 : i32
      %lt3A_39 = arith.cmpi slt, %rem3A, %lt3A : i32
      %lt3A_40 = arith.constant 0 : i32
      %lt3A_41 = arith.cmpi slt, %select_n3A, %lt3A_40 : i32
      %ne3A_42 = arith.xori %lt3A_39, %lt3A_41 : i1
      %and3A = arith.andi %ne3A_42, %ne3A_38 : i1
      %add3A_43 = arith.addi %rem3A, %select_n3A : i32
      %select_n3A_44 = arith.select %and3A, %add3A_43, %rem3A : i32
      %eq3A_45 = arith.constant 0 : i32
      %eq3A_46 = arith.cmpi eq, %select_n3A_44, %eq3A_45 : i32
      %add3A_47 = arith.constant 1 : i32
      %add3A_48 = arith.addi %scan3A_34, %add3A_47 : i32
      %lt3A_49 = arith.constant 8 : i32
      %lt3A_50 = arith.cmpi slt, %add3A_48, %lt3A_49 : i32
      %and3A_51 = arith.andi %eq3A_46, %lt3A_50 : i1
      %convert_element_type3A = arith.extui %and3A_51 : i1 to i32
      %cond3A = arith.constant 0 : i32
      %cond3A_52 = arith.cmpi ne, %convert_element_type3A, %cond3A : i32
      scf.if %cond3A_52 {
        %add3A_71 = arith.constant 1 : i32
        %add3A_72 = arith.addi %scan3A_34, %add3A_71 : i32
        %mul3A_73 = arith.constant 64 : i32
        %mul3A_74 = arith.muli %add3A_72, %mul3A_73 : i32
        %dma_start3A_75 = tpu.memref_slice %arg8[%mul3A_74] : memref<512xi32, #tpu.memory_space<vmem>> -> memref<64xi32, #tpu.memory_space<vmem>>
        %dma_start3A_76 = arith.constant 0 : i32
        %dma_start3A_77 = arith.constant 0 : i32
        %dma_start3A_78 = tpu.memref_slice %arg5[%dma_start3A_76, %dma_start3A_77] : memref<100000x128xf32, #tpu.memory_space<hbm>> -> memref<100000x128xf32, #tpu.memory_space<hbm>>
        tpu.enqueue_indirect_dma source(%dma_start3A_78 : memref<100000x128xf32, #tpu.memory_space<hbm>>) target(%arg14 : memref<64x128xf32, #tpu.memory_space<vmem>>) offsets(%dma_start3A_75 : memref<64xi32, #tpu.memory_space<vmem>>) semaphore(%arg21 : memref<!tpu.dma_semaphore, #tpu.memory_space<semaphore_mem>>)
        %dma_start3A_79 = tpu.memref_slice %arg9[%mul3A_74] : memref<512xi32, #tpu.memory_space<vmem>> -> memref<64xi32, #tpu.memory_space<vmem>>
        %dma_start3A_80 = arith.constant 0 : i32
        %dma_start3A_81 = arith.constant 0 : i32
        %dma_start3A_82 = tpu.memref_slice %arg6[%dma_start3A_80, %dma_start3A_81] : memref<100000x128xf32, #tpu.memory_space<hbm>> -> memref<100000x128xf32, #tpu.memory_space<hbm>>
        tpu.enqueue_indirect_dma source(%dma_start3A_82 : memref<100000x128xf32, #tpu.memory_space<hbm>>) target(%arg15 : memref<64x128xf32, #tpu.memory_space<vmem>>) offsets(%dma_start3A_79 : memref<64xi32, #tpu.memory_space<vmem>>) semaphore(%arg21 : memref<!tpu.dma_semaphore, #tpu.memory_space<semaphore_mem>>)
        %dma_start3A_83 = tpu.memref_slice %arg10[%mul3A_74] : memref<512xi32, #tpu.memory_space<vmem>> -> memref<64xi32, #tpu.memory_space<vmem>>
        %dma_start3A_84 = arith.constant 0 : i32
        %dma_start3A_85 = arith.constant 0 : i32
        %dma_start3A_86 = tpu.memref_slice %arg6[%dma_start3A_84, %dma_start3A_85] : memref<100000x128xf32, #tpu.memory_space<hbm>> -> memref<100000x128xf32, #tpu.memory_space<hbm>>
        tpu.enqueue_indirect_dma source(%dma_start3A_86 : memref<100000x128xf32, #tpu.memory_space<hbm>>) target(%arg16 : memref<64x128xf32, #tpu.memory_space<vmem>>) offsets(%dma_start3A_83 : memref<64xi32, #tpu.memory_space<vmem>>) semaphore(%arg21 : memref<!tpu.dma_semaphore, #tpu.memory_space<semaphore_mem>>)
      } else {
      }
      %not3A = arith.constant true
      %not3A_53 = arith.xori %eq3A_46, %not3A : i1
      %add3A_54 = arith.constant 1 : i32
      %add3A_55 = arith.addi %scan3A_34, %add3A_54 : i32
      %lt3A_56 = arith.constant 8 : i32
      %lt3A_57 = arith.cmpi slt, %add3A_55, %lt3A_56 : i32
      %and3A_58 = arith.andi %not3A_53, %lt3A_57 : i1
      %convert_element_type3A_59 = arith.extui %and3A_58 : i1 to i32
      %cond3A_60 = arith.constant 0 : i32
      %cond3A_61 = arith.cmpi ne, %convert_element_type3A_59, %cond3A_60 : i32
      scf.if %cond3A_61 {
        %add3A_71 = arith.constant 1 : i32
        %add3A_72 = arith.addi %scan3A_34, %add3A_71 : i32
        %mul3A_73 = arith.constant 64 : i32
        %mul3A_74 = arith.muli %add3A_72, %mul3A_73 : i32
        %dma_start3A_75 = tpu.memref_slice %arg8[%mul3A_74] : memref<512xi32, #tpu.memory_space<vmem>> -> memref<64xi32, #tpu.memory_space<vmem>>
        %dma_start3A_76 = arith.constant 0 : i32
        %dma_start3A_77 = arith.constant 0 : i32
        %dma_start3A_78 = tpu.memref_slice %arg5[%dma_start3A_76, %dma_start3A_77] : memref<100000x128xf32, #tpu.memory_space<hbm>> -> memref<100000x128xf32, #tpu.memory_space<hbm>>
        tpu.enqueue_indirect_dma source(%dma_start3A_78 : memref<100000x128xf32, #tpu.memory_space<hbm>>) target(%arg11 : memref<64x128xf32, #tpu.memory_space<vmem>>) offsets(%dma_start3A_75 : memref<64xi32, #tpu.memory_space<vmem>>) semaphore(%arg20 : memref<!tpu.dma_semaphore, #tpu.memory_space<semaphore_mem>>)
        %dma_start3A_79 = tpu.memref_slice %arg9[%mul3A_74] : memref<512xi32, #tpu.memory_space<vmem>> -> memref<64xi32, #tpu.memory_space<vmem>>
        %dma_start3A_80 = arith.constant 0 : i32
        %dma_start3A_81 = arith.constant 0 : i32
        %dma_start3A_82 = tpu.memref_slice %arg6[%dma_start3A_80, %dma_start3A_81] : memref<100000x128xf32, #tpu.memory_space<hbm>> -> memref<100000x128xf32, #tpu.memory_space<hbm>>
        tpu.enqueue_indirect_dma source(%dma_start3A_82 : memref<100000x128xf32, #tpu.memory_space<hbm>>) target(%arg12 : memref<64x128xf32, #tpu.memory_space<vmem>>) offsets(%dma_start3A_79 : memref<64xi32, #tpu.memory_space<vmem>>) semaphore(%arg20 : memref<!tpu.dma_semaphore, #tpu.memory_space<semaphore_mem>>)
        %dma_start3A_83 = tpu.memref_slice %arg10[%mul3A_74] : memref<512xi32, #tpu.memory_space<vmem>> -> memref<64xi32, #tpu.memory_space<vmem>>
        %dma_start3A_84 = arith.constant 0 : i32
        %dma_start3A_85 = arith.constant 0 : i32
        %dma_start3A_86 = tpu.memref_slice %arg6[%dma_start3A_84, %dma_start3A_85] : memref<100000x128xf32, #tpu.memory_space<hbm>> -> memref<100000x128xf32, #tpu.memory_space<hbm>>
        tpu.enqueue_indirect_dma source(%dma_start3A_86 : memref<100000x128xf32, #tpu.memory_space<hbm>>) target(%arg13 : memref<64x128xf32, #tpu.memory_space<vmem>>) offsets(%dma_start3A_83 : memref<64xi32, #tpu.memory_space<vmem>>) semaphore(%arg20 : memref<!tpu.dma_semaphore, #tpu.memory_space<semaphore_mem>>)
      } else {
      }
      %convert_element_type3A_62 = arith.extui %eq3A_46 : i1 to i32
      %cond3A_63 = arith.constant 0 : i32
      %cond3A_64 = arith.cmpi ne, %convert_element_type3A_62, %cond3A_63 : i32
      scf.if %cond3A_64 {
        %dma_wait3A_71 = arith.constant 0 : i32
        %dma_wait3A_72 = arith.constant 0 : i32
        %dma_wait3A_73 = tpu.memref_slice %arg5[%dma_wait3A_71, %dma_wait3A_72] : memref<100000x128xf32, #tpu.memory_space<hbm>> -> memref<64x128xf32, #tpu.memory_space<hbm>>
        %dma_wait3A_74 = arith.constant 0 : i32
        %dma_wait3A_75 = arith.constant 0 : i32
        %dma_wait3A_76 = tpu.memref_slice %arg5[%dma_wait3A_74, %dma_wait3A_75] : memref<100000x128xf32, #tpu.memory_space<hbm>> -> memref<64x128xf32, #tpu.memory_space<hbm>>
        tpu.wait_dma2 semaphore(%arg20 : memref<!tpu.dma_semaphore, #tpu.memory_space<semaphore_mem>>) src(%dma_wait3A_76 : memref<64x128xf32, #tpu.memory_space<hbm>>) dst(%arg11 : memref<64x128xf32, #tpu.memory_space<vmem>>)
        %dma_wait3A_77 = arith.constant 0 : i32
        %dma_wait3A_78 = arith.constant 0 : i32
        %dma_wait3A_79 = tpu.memref_slice %arg5[%dma_wait3A_77, %dma_wait3A_78] : memref<100000x128xf32, #tpu.memory_space<hbm>> -> memref<64x128xf32, #tpu.memory_space<hbm>>
        %dma_wait3A_80 = arith.constant 0 : i32
        %dma_wait3A_81 = arith.constant 0 : i32
        %dma_wait3A_82 = tpu.memref_slice %arg5[%dma_wait3A_80, %dma_wait3A_81] : memref<100000x128xf32, #tpu.memory_space<hbm>> -> memref<64x128xf32, #tpu.memory_space<hbm>>
        tpu.wait_dma2 semaphore(%arg20 : memref<!tpu.dma_semaphore, #tpu.memory_space<semaphore_mem>>) src(%dma_wait3A_82 : memref<64x128xf32, #tpu.memory_space<hbm>>) dst(%arg12 : memref<64x128xf32, #tpu.memory_space<vmem>>)
        %dma_wait3A_83 = arith.constant 0 : i32
        %dma_wait3A_84 = arith.constant 0 : i32
        %dma_wait3A_85 = tpu.memref_slice %arg5[%dma_wait3A_83, %dma_wait3A_84] : memref<100000x128xf32, #tpu.memory_space<hbm>> -> memref<64x128xf32, #tpu.memory_space<hbm>>
        %dma_wait3A_86 = arith.constant 0 : i32
        %dma_wait3A_87 = arith.constant 0 : i32
        %dma_wait3A_88 = tpu.memref_slice %arg5[%dma_wait3A_86, %dma_wait3A_87] : memref<100000x128xf32, #tpu.memory_space<hbm>> -> memref<64x128xf32, #tpu.memory_space<hbm>>
        tpu.wait_dma2 semaphore(%arg20 : memref<!tpu.dma_semaphore, #tpu.memory_space<semaphore_mem>>) src(%dma_wait3A_88 : memref<64x128xf32, #tpu.memory_space<hbm>>) dst(%arg13 : memref<64x128xf32, #tpu.memory_space<vmem>>)
        %iota3A = tpu.iota {dimensions = array<i32: 0>} : vector<16xi32>
        %parallel_loop3A = arith.constant 0 : i32
        %parallel_loop3A_89 = arith.constant 32 : i32
        %parallel_loop3A_90 = arith.constant 1 : i32
        scf.for %parallel_loop3A_98 = %parallel_loop3A to %parallel_loop3A_89 step %parallel_loop3A_90  : i32 {
          %parallel_loop3A_99 = arith.constant 8 : i32
          %parallel_loop3A_100 = arith.divsi %parallel_loop3A_98, %parallel_loop3A_99 : i32
          %parallel_loop3A_101 = arith.constant 0 : i32
          %parallel_loop3A_102 = arith.cmpi sgt, %parallel_loop3A_98, %parallel_loop3A_101 : i32
          %parallel_loop3A_103 = arith.extui %parallel_loop3A_102 : i1 to i32
          %parallel_loop3A_104 = arith.constant 0 : i32
          %parallel_loop3A_105 = arith.cmpi slt, %parallel_loop3A_98, %parallel_loop3A_104 : i32
          %parallel_loop3A_106 = arith.extui %parallel_loop3A_105 : i1 to i32
          %parallel_loop3A_107 = arith.subi %parallel_loop3A_103, %parallel_loop3A_106 : i32
          %parallel_loop3A_108 = arith.constant 0 : i32
          %parallel_loop3A_109 = arith.cmpi sgt, %parallel_loop3A_99, %parallel_loop3A_108 : i32
          %parallel_loop3A_110 = arith.extui %parallel_loop3A_109 : i1 to i32
          %parallel_loop3A_111 = arith.constant 0 : i32
          %parallel_loop3A_112 = arith.cmpi slt, %parallel_loop3A_99, %parallel_loop3A_111 : i32
          %parallel_loop3A_113 = arith.extui %parallel_loop3A_112 : i1 to i32
          %parallel_loop3A_114 = arith.subi %parallel_loop3A_110, %parallel_loop3A_113 : i32
          %parallel_loop3A_115 = arith.cmpi ne, %parallel_loop3A_107, %parallel_loop3A_114 : i32
          %parallel_loop3A_116 = arith.remsi %parallel_loop3A_98, %parallel_loop3A_99 : i32
          %parallel_loop3A_117 = arith.constant 0 : i32
          %parallel_loop3A_118 = arith.cmpi ne, %parallel_loop3A_116, %parallel_loop3A_117 : i32
          %parallel_loop3A_119 = arith.andi %parallel_loop3A_115, %parallel_loop3A_118 : i1
          %parallel_loop3A_120 = arith.constant 1 : i32
          %parallel_loop3A_121 = arith.subi %parallel_loop3A_100, %parallel_loop3A_120 : i32
          %parallel_loop3A_122 = arith.select %parallel_loop3A_119, %parallel_loop3A_121, %parallel_loop3A_100 : i32
          %parallel_loop3A_123 = arith.constant 8 : i32
          %parallel_loop3A_124 = arith.constant 0 : i32
          %parallel_loop3A_125 = arith.cmpi eq, %parallel_loop3A_123, %parallel_loop3A_124 : i32
          %parallel_loop3A_126 = arith.constant 1 : i32
          %parallel_loop3A_127 = arith.select %parallel_loop3A_125, %parallel_loop3A_126, %parallel_loop3A_123 : i32
          %parallel_loop3A_128 = arith.remsi %parallel_loop3A_98, %parallel_loop3A_127 : i32
          %parallel_loop3A_129 = arith.constant 0 : i32
          %parallel_loop3A_130 = arith.cmpi ne, %parallel_loop3A_128, %parallel_loop3A_129 : i32
          %parallel_loop3A_131 = arith.constant 0 : i32
          %parallel_loop3A_132 = arith.cmpi slt, %parallel_loop3A_128, %parallel_loop3A_131 : i32
          %parallel_loop3A_133 = arith.constant 0 : i32
          %parallel_loop3A_134 = arith.cmpi slt, %parallel_loop3A_127, %parallel_loop3A_133 : i32
          %parallel_loop3A_135 = arith.xori %parallel_loop3A_132, %parallel_loop3A_134 : i1
          %parallel_loop3A_136 = arith.andi %parallel_loop3A_135, %parallel_loop3A_130 : i1
          %parallel_loop3A_137 = arith.addi %parallel_loop3A_128, %parallel_loop3A_127 : i32
          %parallel_loop3A_138 = arith.select %parallel_loop3A_136, %parallel_loop3A_137, %parallel_loop3A_128 : i32
          %parallel_loop3A_139 = arith.constant 1 : i32
          %parallel_loop3A_140 = arith.andi %parallel_loop3A_138, %parallel_loop3A_139 : i32
          %parallel_loop3A_141 = arith.constant 2 : i32
          %parallel_loop3A_142 = arith.shli %parallel_loop3A_140, %parallel_loop3A_141 : i32
          %parallel_loop3A_143 = arith.constant 2 : i32
          %parallel_loop3A_144 = arith.andi %parallel_loop3A_138, %parallel_loop3A_143 : i32
          %parallel_loop3A_145 = arith.ori %parallel_loop3A_142, %parallel_loop3A_144 : i32
          %parallel_loop3A_146 = arith.constant 2 : i32
          %parallel_loop3A_147 = arith.shrsi %parallel_loop3A_138, %parallel_loop3A_146 : i32
          %parallel_loop3A_148 = arith.constant 1 : i32
          %parallel_loop3A_149 = arith.andi %parallel_loop3A_147, %parallel_loop3A_148 : i32
          %parallel_loop3A_150 = arith.ori %parallel_loop3A_145, %parallel_loop3A_149 : i32
          %parallel_loop3A_151 = arith.constant 16 : i32
          %parallel_loop3A_152 = arith.muli %parallel_loop3A_122, %parallel_loop3A_151 : i32
          %parallel_loop3A_153 = arith.addi %parallel_loop3A_152, %parallel_loop3A_150 : i32
          %parallel_loop3A_154 = arith.index_cast %parallel_loop3A_153 : i32 to index
          %parallel_loop3A_155 = arith.constant 0 : index
          %parallel_loop3A_156 = tpu.vector_load %arg11[%parallel_loop3A_154, %parallel_loop3A_155] {strides = array<i32>} : memref<64x128xf32, #tpu.memory_space<vmem>>, vector<1x16xf32>,
          %parallel_loop3A_157 = vector.shape_cast %parallel_loop3A_156 : vector<1x16xf32> to vector<16xf32>
          %parallel_loop3A_158 = arith.index_cast %parallel_loop3A_153 : i32 to index
          %parallel_loop3A_159 = arith.constant 0 : index
          %parallel_loop3A_160 = tpu.vector_load %arg12[%parallel_loop3A_158, %parallel_loop3A_159] {strides = array<i32>} : memref<64x128xf32, #tpu.memory_space<vmem>>, vector<1x16xf32>,
          %parallel_loop3A_161 = vector.shape_cast %parallel_loop3A_160 : vector<1x16xf32> to vector<16xf32>
          %parallel_loop3A_162 = arith.index_cast %parallel_loop3A_153 : i32 to index
          %parallel_loop3A_163 = arith.constant 0 : index
          %parallel_loop3A_164 = tpu.vector_load %arg13[%parallel_loop3A_162, %parallel_loop3A_163] {strides = array<i32>} : memref<64x128xf32, #tpu.memory_space<vmem>>, vector<1x16xf32>,
          %parallel_loop3A_165 = vector.shape_cast %parallel_loop3A_164 : vector<1x16xf32> to vector<16xf32>
          %parallel_loop3A_166 = arith.subf %parallel_loop3A_161, %parallel_loop3A_165 : vector<16xf32>
          %parallel_loop3A_167 = arith.mulf %parallel_loop3A_157, %parallel_loop3A_166 : vector<16xf32>
          %parallel_loop3A_168 = arith.index_cast %parallel_loop3A_153 : i32 to index
          %parallel_loop3A_169 = arith.constant 16 : index
          %parallel_loop3A_170 = tpu.vector_load %arg11[%parallel_loop3A_168, %parallel_loop3A_169] {strides = array<i32>} : memref<64x128xf32, #tpu.memory_space<vmem>>, vector<1x16xf32>,
          %parallel_loop3A_171 = vector.shape_cast %parallel_loop3A_170 : vector<1x16xf32> to vector<16xf32>
          %parallel_loop3A_172 = arith.index_cast %parallel_loop3A_153 : i32 to index
          %parallel_loop3A_173 = arith.constant 16 : index
          %parallel_loop3A_174 = tpu.vector_load %arg12[%parallel_loop3A_172, %parallel_loop3A_173] {strides = array<i32>} : memref<64x128xf32, #tpu.memory_space<vmem>>, vector<1x16xf32>,
          %parallel_loop3A_175 = vector.shape_cast %parallel_loop3A_174 : vector<1x16xf32> to vector<16xf32>
          %parallel_loop3A_176 = arith.index_cast %parallel_loop3A_153 : i32 to index
          %parallel_loop3A_177 = arith.constant 16 : index
          %parallel_loop3A_178 = tpu.vector_load %arg13[%parallel_loop3A_176, %parallel_loop3A_177] {strides = array<i32>} : memref<64x128xf32, #tpu.memory_space<vmem>>, vector<1x16xf32>,
          %parallel_loop3A_179 = vector.shape_cast %parallel_loop3A_178 : vector<1x16xf32> to vector<16xf32>
          %parallel_loop3A_180 = arith.subf %parallel_loop3A_175, %parallel_loop3A_179 : vector<16xf32>
          %parallel_loop3A_181 = arith.mulf %parallel_loop3A_171, %parallel_loop3A_180 : vector<16xf32>
          %parallel_loop3A_182 = arith.addf %parallel_loop3A_167, %parallel_loop3A_181 : vector<16xf32>
          %parallel_loop3A_183 = arith.index_cast %parallel_loop3A_153 : i32 to index
          %parallel_loop3A_184 = arith.constant 32 : index
          %parallel_loop3A_185 = tpu.vector_load %arg11[%parallel_loop3A_183, %parallel_loop3A_184] {strides = array<i32>} : memref<64x128xf32, #tpu.memory_space<vmem>>, vector<1x16xf32>,
          %parallel_loop3A_186 = vector.shape_cast %parallel_loop3A_185 : vector<1x16xf32> to vector<16xf32>
          %parallel_loop3A_187 = arith.index_cast %parallel_loop3A_153 : i32 to index
          %parallel_loop3A_188 = arith.constant 32 : index
          %parallel_loop3A_189 = tpu.vector_load %arg12[%parallel_loop3A_187, %parallel_loop3A_188] {strides = array<i32>} : memref<64x128xf32, #tpu.memory_space<vmem>>, vector<1x16xf32>,
          %parallel_loop3A_190 = vector.shape_cast %parallel_loop3A_189 : vector<1x16xf32> to vector<16xf32>
          %parallel_loop3A_191 = arith.index_cast %parallel_loop3A_153 : i32 to index
          %parallel_loop3A_192 = arith.constant 32 : index
          %parallel_loop3A_193 = tpu.vector_load %arg13[%parallel_loop3A_191, %parallel_loop3A_192] {strides = array<i32>} : memref<64x128xf32, #tpu.memory_space<vmem>>, vector<1x16xf32>,
          %parallel_loop3A_194 = vector.shape_cast %parallel_loop3A_193 : vector<1x16xf32> to vector<16xf32>
          %parallel_loop3A_195 = arith.subf %parallel_loop3A_190, %parallel_loop3A_194 : vector<16xf32>
          %parallel_loop3A_196 = arith.mulf %parallel_loop3A_186, %parallel_loop3A_195 : vector<16xf32>
          %parallel_loop3A_197 = arith.addf %parallel_loop3A_182, %parallel_loop3A_196 : vector<16xf32>
          %parallel_loop3A_198 = arith.index_cast %parallel_loop3A_153 : i32 to index
          %parallel_loop3A_199 = arith.constant 48 : index
          %parallel_loop3A_200 = tpu.vector_load %arg11[%parallel_loop3A_198, %parallel_loop3A_199] {strides = array<i32>} : memref<64x128xf32, #tpu.memory_space<vmem>>, vector<1x16xf32>,
          %parallel_loop3A_201 = vector.shape_cast %parallel_loop3A_200 : vector<1x16xf32> to vector<16xf32>
          %parallel_loop3A_202 = arith.index_cast %parallel_loop3A_153 : i32 to index
          %parallel_loop3A_203 = arith.constant 48 : index
          %parallel_loop3A_204 = tpu.vector_load %arg12[%parallel_loop3A_202, %parallel_loop3A_203] {strides = array<i32>} : memref<64x128xf32, #tpu.memory_space<vmem>>, vector<1x16xf32>,
          %parallel_loop3A_205 = vector.shape_cast %parallel_loop3A_204 : vector<1x16xf32> to vector<16xf32>
          %parallel_loop3A_206 = arith.index_cast %parallel_loop3A_153 : i32 to index
          %parallel_loop3A_207 = arith.constant 48 : index
          %parallel_loop3A_208 = tpu.vector_load %arg13[%parallel_loop3A_206, %parallel_loop3A_207] {strides = array<i32>} : memref<64x128xf32, #tpu.memory_space<vmem>>, vector<1x16xf32>,
          %parallel_loop3A_209 = vector.shape_cast %parallel_loop3A_208 : vector<1x16xf32> to vector<16xf32>
          %parallel_loop3A_210 = arith.subf %parallel_loop3A_205, %parallel_loop3A_209 : vector<16xf32>
          %parallel_loop3A_211 = arith.mulf %parallel_loop3A_201, %parallel_loop3A_210 : vector<16xf32>
          %parallel_loop3A_212 = arith.addf %parallel_loop3A_197, %parallel_loop3A_211 : vector<16xf32>
          %parallel_loop3A_213 = arith.index_cast %parallel_loop3A_153 : i32 to index
          %parallel_loop3A_214 = arith.constant 64 : index
          %parallel_loop3A_215 = tpu.vector_load %arg11[%parallel_loop3A_213, %parallel_loop3A_214] {strides = array<i32>} : memref<64x128xf32, #tpu.memory_space<vmem>>, vector<1x16xf32>,
          %parallel_loop3A_216 = vector.shape_cast %parallel_loop3A_215 : vector<1x16xf32> to vector<16xf32>
          %parallel_loop3A_217 = arith.index_cast %parallel_loop3A_153 : i32 to index
          %parallel_loop3A_218 = arith.constant 64 : index
          %parallel_loop3A_219 = tpu.vector_load %arg12[%parallel_loop3A_217, %parallel_loop3A_218] {strides = array<i32>} : memref<64x128xf32, #tpu.memory_space<vmem>>, vector<1x16xf32>,
          %parallel_loop3A_220 = vector.shape_cast %parallel_loop3A_219 : vector<1x16xf32> to vector<16xf32>
          %parallel_loop3A_221 = arith.index_cast %parallel_loop3A_153 : i32 to index
          %parallel_loop3A_222 = arith.constant 64 : index
          %parallel_loop3A_223 = tpu.vector_load %arg13[%parallel_loop3A_221, %parallel_loop3A_222] {strides = array<i32>} : memref<64x128xf32, #tpu.memory_space<vmem>>, vector<1x16xf32>,
          %parallel_loop3A_224 = vector.shape_cast %parallel_loop3A_223 : vector<1x16xf32> to vector<16xf32>
          %parallel_loop3A_225 = arith.subf %parallel_loop3A_220, %parallel_loop3A_224 : vector<16xf32>
          %parallel_loop3A_226 = arith.mulf %parallel_loop3A_216, %parallel_loop3A_225 : vector<16xf32>
          %parallel_loop3A_227 = arith.index_cast %parallel_loop3A_153 : i32 to index
          %parallel_loop3A_228 = arith.constant 80 : index
          %parallel_loop3A_229 = tpu.vector_load %arg11[%parallel_loop3A_227, %parallel_loop3A_228] {strides = array<i32>} : memref<64x128xf32, #tpu.memory_space<vmem>>, vector<1x16xf32>,
          %parallel_loop3A_230 = vector.shape_cast %parallel_loop3A_229 : vector<1x16xf32> to vector<16xf32>
          %parallel_loop3A_231 = arith.index_cast %parallel_loop3A_153 : i32 to index
          %parallel_loop3A_232 = arith.constant 80 : index
          %parallel_loop3A_233 = tpu.vector_load %arg12[%parallel_loop3A_231, %parallel_loop3A_232] {strides = array<i32>} : memref<64x128xf32, #tpu.memory_space<vmem>>, vector<1x16xf32>,
          %parallel_loop3A_234 = vector.shape_cast %parallel_loop3A_233 : vector<1x16xf32> to vector<16xf32>
          %parallel_loop3A_235 = arith.index_cast %parallel_loop3A_153 : i32 to index
          %parallel_loop3A_236 = arith.constant 80 : index
          %parallel_loop3A_237 = tpu.vector_load %arg13[%parallel_loop3A_235, %parallel_loop3A_236] {strides = array<i32>} : memref<64x128xf32, #tpu.memory_space<vmem>>, vector<1x16xf32>,
          %parallel_loop3A_238 = vector.shape_cast %parallel_loop3A_237 : vector<1x16xf32> to vector<16xf32>
          %parallel_loop3A_239 = arith.subf %parallel_loop3A_234, %parallel_loop3A_238 : vector<16xf32>
          %parallel_loop3A_240 = arith.mulf %parallel_loop3A_230, %parallel_loop3A_239 : vector<16xf32>
          %parallel_loop3A_241 = arith.addf %parallel_loop3A_226, %parallel_loop3A_240 : vector<16xf32>
          %parallel_loop3A_242 = arith.index_cast %parallel_loop3A_153 : i32 to index
          %parallel_loop3A_243 = arith.constant 96 : index
          %parallel_loop3A_244 = tpu.vector_load %arg11[%parallel_loop3A_242, %parallel_loop3A_243] {strides = array<i32>} : memref<64x128xf32, #tpu.memory_space<vmem>>, vector<1x16xf32>,
          %parallel_loop3A_245 = vector.shape_cast %parallel_loop3A_244 : vector<1x16xf32> to vector<16xf32>
          %parallel_loop3A_246 = arith.index_cast %parallel_loop3A_153 : i32 to index
          %parallel_loop3A_247 = arith.constant 96 : index
          %parallel_loop3A_248 = tpu.vector_load %arg12[%parallel_loop3A_246, %parallel_loop3A_247] {strides = array<i32>} : memref<64x128xf32, #tpu.memory_space<vmem>>, vector<1x16xf32>,
          %parallel_loop3A_249 = vector.shape_cast %parallel_loop3A_248 : vector<1x16xf32> to vector<16xf32>
          %parallel_loop3A_250 = arith.index_cast %parallel_loop3A_153 : i32 to index
          %parallel_loop3A_251 = arith.constant 96 : index
          %parallel_loop3A_252 = tpu.vector_load %arg13[%parallel_loop3A_250, %parallel_loop3A_251] {strides = array<i32>} : memref<64x128xf32, #tpu.memory_space<vmem>>, vector<1x16xf32>,
          %parallel_loop3A_253 = vector.shape_cast %parallel_loop3A_252 : vector<1x16xf32> to vector<16xf32>
          %parallel_loop3A_254 = arith.subf %parallel_loop3A_249, %parallel_loop3A_253 : vector<16xf32>
          %parallel_loop3A_255 = arith.mulf %parallel_loop3A_245, %parallel_loop3A_254 : vector<16xf32>
          %parallel_loop3A_256 = arith.addf %parallel_loop3A_241, %parallel_loop3A_255 : vector<16xf32>
          %parallel_loop3A_257 = arith.index_cast %parallel_loop3A_153 : i32 to index
          %parallel_loop3A_258 = arith.constant 112 : index
          %parallel_loop3A_259 = tpu.vector_load %arg11[%parallel_loop3A_257, %parallel_loop3A_258] {strides = array<i32>} : memref<64x128xf32, #tpu.memory_space<vmem>>, vector<1x16xf32>,
          %parallel_loop3A_260 = vector.shape_cast %parallel_loop3A_259 : vector<1x16xf32> to vector<16xf32>
          %parallel_loop3A_261 = arith.index_cast %parallel_loop3A_153 : i32 to index
          %parallel_loop3A_262 = arith.constant 112 : index
          %parallel_loop3A_263 = tpu.vector_load %arg12[%parallel_loop3A_261, %parallel_loop3A_262] {strides = array<i32>} : memref<64x128xf32, #tpu.memory_space<vmem>>, vector<1x16xf32>,
          %parallel_loop3A_264 = vector.shape_cast %parallel_loop3A_263 : vector<1x16xf32> to vector<16xf32>
          %parallel_loop3A_265 = arith.index_cast %parallel_loop3A_153 : i32 to index
          %parallel_loop3A_266 = arith.constant 112 : index
          %parallel_loop3A_267 = tpu.vector_load %arg13[%parallel_loop3A_265, %parallel_loop3A_266] {strides = array<i32>} : memref<64x128xf32, #tpu.memory_space<vmem>>, vector<1x16xf32>,
          %parallel_loop3A_268 = vector.shape_cast %parallel_loop3A_267 : vector<1x16xf32> to vector<16xf32>
          %parallel_loop3A_269 = arith.subf %parallel_loop3A_264, %parallel_loop3A_268 : vector<16xf32>
          %parallel_loop3A_270 = arith.mulf %parallel_loop3A_260, %parallel_loop3A_269 : vector<16xf32>
          %parallel_loop3A_271 = arith.addf %parallel_loop3A_256, %parallel_loop3A_270 : vector<16xf32>
          %parallel_loop3A_272 = arith.addf %parallel_loop3A_212, %parallel_loop3A_271 : vector<16xf32>
          %parallel_loop3A_273 = arith.constant 8 : i32
          %parallel_loop3A_274 = arith.addi %parallel_loop3A_153, %parallel_loop3A_273 : i32
          %parallel_loop3A_275 = arith.index_cast %parallel_loop3A_274 : i32 to index
          %parallel_loop3A_276 = arith.constant 0 : index
          %parallel_loop3A_277 = tpu.vector_load %arg11[%parallel_loop3A_275, %parallel_loop3A_276] {strides = array<i32>} : memref<64x128xf32, #tpu.memory_space<vmem>>, vector<1x16xf32>,
          %parallel_loop3A_278 = vector.shape_cast %parallel_loop3A_277 : vector<1x16xf32> to vector<16xf32>
          %parallel_loop3A_279 = arith.index_cast %parallel_loop3A_274 : i32 to index
          %parallel_loop3A_280 = arith.constant 0 : index
          %parallel_loop3A_281 = tpu.vector_load %arg12[%parallel_loop3A_279, %parallel_loop3A_280] {strides = array<i32>} : memref<64x128xf32, #tpu.memory_space<vmem>>, vector<1x16xf32>,
          %parallel_loop3A_282 = vector.shape_cast %parallel_loop3A_281 : vector<1x16xf32> to vector<16xf32>
          %parallel_loop3A_283 = arith.index_cast %parallel_loop3A_274 : i32 to index
          %parallel_loop3A_284 = arith.constant 0 : index
          %parallel_loop3A_285 = tpu.vector_load %arg13[%parallel_loop3A_283, %parallel_loop3A_284] {strides = array<i32>} : memref<64x128xf32, #tpu.memory_space<vmem>>, vector<1x16xf32>,
          %parallel_loop3A_286 = vector.shape_cast %parallel_loop3A_285 : vector<1x16xf32> to vector<16xf32>
          %parallel_loop3A_287 = arith.subf %parallel_loop3A_282, %parallel_loop3A_286 : vector<16xf32>
          %parallel_loop3A_288 = arith.mulf %parallel_loop3A_278, %parallel_loop3A_287 : vector<16xf32>
          %parallel_loop3A_289 = arith.index_cast %parallel_loop3A_274 : i32 to index
          %parallel_loop3A_290 = arith.constant 16 : index
          %parallel_loop3A_291 = tpu.vector_load %arg11[%parallel_loop3A_289, %parallel_loop3A_290] {strides = array<i32>} : memref<64x128xf32, #tpu.memory_space<vmem>>, vector<1x16xf32>,
          %parallel_loop3A_292 = vector.shape_cast %parallel_loop3A_291 : vector<1x16xf32> to vector<16xf32>
          %parallel_loop3A_293 = arith.index_cast %parallel_loop3A_274 : i32 to index
          %parallel_loop3A_294 = arith.constant 16 : index
          %parallel_loop3A_295 = tpu.vector_load %arg12[%parallel_loop3A_293, %parallel_loop3A_294] {strides = array<i32>} : memref<64x128xf32, #tpu.memory_space<vmem>>, vector<1x16xf32>,
          %parallel_loop3A_296 = vector.shape_cast %parallel_loop3A_295 : vector<1x16xf32> to vector<16xf32>
          %parallel_loop3A_297 = arith.index_cast %parallel_loop3A_274 : i32 to index
          %parallel_loop3A_298 = arith.constant 16 : index
          %parallel_loop3A_299 = tpu.vector_load %arg13[%parallel_loop3A_297, %parallel_loop3A_298] {strides = array<i32>} : memref<64x128xf32, #tpu.memory_space<vmem>>, vector<1x16xf32>,
          %parallel_loop3A_300 = vector.shape_cast %parallel_loop3A_299 : vector<1x16xf32> to vector<16xf32>
          %parallel_loop3A_301 = arith.subf %parallel_loop3A_296, %parallel_loop3A_300 : vector<16xf32>
          %parallel_loop3A_302 = arith.mulf %parallel_loop3A_292, %parallel_loop3A_301 : vector<16xf32>
          %parallel_loop3A_303 = arith.addf %parallel_loop3A_288, %parallel_loop3A_302 : vector<16xf32>
          %parallel_loop3A_304 = arith.index_cast %parallel_loop3A_274 : i32 to index
          %parallel_loop3A_305 = arith.constant 32 : index
          %parallel_loop3A_306 = tpu.vector_load %arg11[%parallel_loop3A_304, %parallel_loop3A_305] {strides = array<i32>} : memref<64x128xf32, #tpu.memory_space<vmem>>, vector<1x16xf32>,
          %parallel_loop3A_307 = vector.shape_cast %parallel_loop3A_306 : vector<1x16xf32> to vector<16xf32>
          %parallel_loop3A_308 = arith.index_cast %parallel_loop3A_274 : i32 to index
          %parallel_loop3A_309 = arith.constant 32 : index
          %parallel_loop3A_310 = tpu.vector_load %arg12[%parallel_loop3A_308, %parallel_loop3A_309] {strides = array<i32>} : memref<64x128xf32, #tpu.memory_space<vmem>>, vector<1x16xf32>,
          %parallel_loop3A_311 = vector.shape_cast %parallel_loop3A_310 : vector<1x16xf32> to vector<16xf32>
          %parallel_loop3A_312 = arith.index_cast %parallel_loop3A_274 : i32 to index
          %parallel_loop3A_313 = arith.constant 32 : index
          %parallel_loop3A_314 = tpu.vector_load %arg13[%parallel_loop3A_312, %parallel_loop3A_313] {strides = array<i32>} : memref<64x128xf32, #tpu.memory_space<vmem>>, vector<1x16xf32>,
          %parallel_loop3A_315 = vector.shape_cast %parallel_loop3A_314 : vector<1x16xf32> to vector<16xf32>
          %parallel_loop3A_316 = arith.subf %parallel_loop3A_311, %parallel_loop3A_315 : vector<16xf32>
          %parallel_loop3A_317 = arith.mulf %parallel_loop3A_307, %parallel_loop3A_316 : vector<16xf32>
          %parallel_loop3A_318 = arith.addf %parallel_loop3A_303, %parallel_loop3A_317 : vector<16xf32>
          %parallel_loop3A_319 = arith.index_cast %parallel_loop3A_274 : i32 to index
          %parallel_loop3A_320 = arith.constant 48 : index
          %parallel_loop3A_321 = tpu.vector_load %arg11[%parallel_loop3A_319, %parallel_loop3A_320] {strides = array<i32>} : memref<64x128xf32, #tpu.memory_space<vmem>>, vector<1x16xf32>,
          %parallel_loop3A_322 = vector.shape_cast %parallel_loop3A_321 : vector<1x16xf32> to vector<16xf32>
          %parallel_loop3A_323 = arith.index_cast %parallel_loop3A_274 : i32 to index
          %parallel_loop3A_324 = arith.constant 48 : index
          %parallel_loop3A_325 = tpu.vector_load %arg12[%parallel_loop3A_323, %parallel_loop3A_324] {strides = array<i32>} : memref<64x128xf32, #tpu.memory_space<vmem>>, vector<1x16xf32>,
          %parallel_loop3A_326 = vector.shape_cast %parallel_loop3A_325 : vector<1x16xf32> to vector<16xf32>
          %parallel_loop3A_327 = arith.index_cast %parallel_loop3A_274 : i32 to index
          %parallel_loop3A_328 = arith.constant 48 : index
          %parallel_loop3A_329 = tpu.vector_load %arg13[%parallel_loop3A_327, %parallel_loop3A_328] {strides = array<i32>} : memref<64x128xf32, #tpu.memory_space<vmem>>, vector<1x16xf32>,
          %parallel_loop3A_330 = vector.shape_cast %parallel_loop3A_329 : vector<1x16xf32> to vector<16xf32>
          %parallel_loop3A_331 = arith.subf %parallel_loop3A_326, %parallel_loop3A_330 : vector<16xf32>
          %parallel_loop3A_332 = arith.mulf %parallel_loop3A_322, %parallel_loop3A_331 : vector<16xf32>
          %parallel_loop3A_333 = arith.addf %parallel_loop3A_318, %parallel_loop3A_332 : vector<16xf32>
          %parallel_loop3A_334 = arith.index_cast %parallel_loop3A_274 : i32 to index
          %parallel_loop3A_335 = arith.constant 64 : index
          %parallel_loop3A_336 = tpu.vector_load %arg11[%parallel_loop3A_334, %parallel_loop3A_335] {strides = array<i32>} : memref<64x128xf32, #tpu.memory_space<vmem>>, vector<1x16xf32>,
          %parallel_loop3A_337 = vector.shape_cast %parallel_loop3A_336 : vector<1x16xf32> to vector<16xf32>
          %parallel_loop3A_338 = arith.index_cast %parallel_loop3A_274 : i32 to index
          %parallel_loop3A_339 = arith.constant 64 : index
          %parallel_loop3A_340 = tpu.vector_load %arg12[%parallel_loop3A_338, %parallel_loop3A_339] {strides = array<i32>} : memref<64x128xf32, #tpu.memory_space<vmem>>, vector<1x16xf32>,
          %parallel_loop3A_341 = vector.shape_cast %parallel_loop3A_340 : vector<1x16xf32> to vector<16xf32>
          %parallel_loop3A_342 = arith.index_cast %parallel_loop3A_274 : i32 to index
          %parallel_loop3A_343 = arith.constant 64 : index
          %parallel_loop3A_344 = tpu.vector_load %arg13[%parallel_loop3A_342, %parallel_loop3A_343] {strides = array<i32>} : memref<64x128xf32, #tpu.memory_space<vmem>>, vector<1x16xf32>,
          %parallel_loop3A_345 = vector.shape_cast %parallel_loop3A_344 : vector<1x16xf32> to vector<16xf32>
          %parallel_loop3A_346 = arith.subf %parallel_loop3A_341, %parallel_loop3A_345 : vector<16xf32>
          %parallel_loop3A_347 = arith.mulf %parallel_loop3A_337, %parallel_loop3A_346 : vector<16xf32>
          %parallel_loop3A_348 = arith.index_cast %parallel_loop3A_274 : i32 to index
          %parallel_loop3A_349 = arith.constant 80 : index
          %parallel_loop3A_350 = tpu.vector_load %arg11[%parallel_loop3A_348, %parallel_loop3A_349] {strides = array<i32>} : memref<64x128xf32, #tpu.memory_space<vmem>>, vector<1x16xf32>,
          %parallel_loop3A_351 = vector.shape_cast %parallel_loop3A_350 : vector<1x16xf32> to vector<16xf32>
          %parallel_loop3A_352 = arith.index_cast %parallel_loop3A_274 : i32 to index
          %parallel_loop3A_353 = arith.constant 80 : index
          %parallel_loop3A_354 = tpu.vector_load %arg12[%parallel_loop3A_352, %parallel_loop3A_353] {strides = array<i32>} : memref<64x128xf32, #tpu.memory_space<vmem>>, vector<1x16xf32>,
          %parallel_loop3A_355 = vector.shape_cast %parallel_loop3A_354 : vector<1x16xf32> to vector<16xf32>
          %parallel_loop3A_356 = arith.index_cast %parallel_loop3A_274 : i32 to index
          %parallel_loop3A_357 = arith.constant 80 : index
          %parallel_loop3A_358 = tpu.vector_load %arg13[%parallel_loop3A_356, %parallel_loop3A_357] {strides = array<i32>} : memref<64x128xf32, #tpu.memory_space<vmem>>, vector<1x16xf32>,
          %parallel_loop3A_359 = vector.shape_cast %parallel_loop3A_358 : vector<1x16xf32> to vector<16xf32>
          %parallel_loop3A_360 = arith.subf %parallel_loop3A_355, %parallel_loop3A_359 : vector<16xf32>
          %parallel_loop3A_361 = arith.mulf %parallel_loop3A_351, %parallel_loop3A_360 : vector<16xf32>
          %parallel_loop3A_362 = arith.addf %parallel_loop3A_347, %parallel_loop3A_361 : vector<16xf32>
          %parallel_loop3A_363 = arith.index_cast %parallel_loop3A_274 : i32 to index
          %parallel_loop3A_364 = arith.constant 96 : index
          %parallel_loop3A_365 = tpu.vector_load %arg11[%parallel_loop3A_363, %parallel_loop3A_364] {strides = array<i32>} : memref<64x128xf32, #tpu.memory_space<vmem>>, vector<1x16xf32>,
          %parallel_loop3A_366 = vector.shape_cast %parallel_loop3A_365 : vector<1x16xf32> to vector<16xf32>
          %parallel_loop3A_367 = arith.index_cast %parallel_loop3A_274 : i32 to index
          %parallel_loop3A_368 = arith.constant 96 : index
          %parallel_loop3A_369 = tpu.vector_load %arg12[%parallel_loop3A_367, %parallel_loop3A_368] {strides = array<i32>} : memref<64x128xf32, #tpu.memory_space<vmem>>, vector<1x16xf32>,
          %parallel_loop3A_370 = vector.shape_cast %parallel_loop3A_369 : vector<1x16xf32> to vector<16xf32>
          %parallel_loop3A_371 = arith.index_cast %parallel_loop3A_274 : i32 to index
          %parallel_loop3A_372 = arith.constant 96 : index
          %parallel_loop3A_373 = tpu.vector_load %arg13[%parallel_loop3A_371, %parallel_loop3A_372] {strides = array<i32>} : memref<64x128xf32, #tpu.memory_space<vmem>>, vector<1x16xf32>,
          %parallel_loop3A_374 = vector.shape_cast %parallel_loop3A_373 : vector<1x16xf32> to vector<16xf32>
          %parallel_loop3A_375 = arith.subf %parallel_loop3A_370, %parallel_loop3A_374 : vector<16xf32>
          %parallel_loop3A_376 = arith.mulf %parallel_loop3A_366, %parallel_loop3A_375 : vector<16xf32>
          %parallel_loop3A_377 = arith.addf %parallel_loop3A_362, %parallel_loop3A_376 : vector<16xf32>
          %parallel_loop3A_378 = arith.index_cast %parallel_loop3A_274 : i32 to index
          %parallel_loop3A_379 = arith.constant 112 : index
          %parallel_loop3A_380 = tpu.vector_load %arg11[%parallel_loop3A_378, %parallel_loop3A_379] {strides = array<i32>} : memref<64x128xf32, #tpu.memory_space<vmem>>, vector<1x16xf32>,
          %parallel_loop3A_381 = vector.shape_cast %parallel_loop3A_380 : vector<1x16xf32> to vector<16xf32>
          %parallel_loop3A_382 = arith.index_cast %parallel_loop3A_274 : i32 to index
          %parallel_loop3A_383 = arith.constant 112 : index
          %parallel_loop3A_384 = tpu.vector_load %arg12[%parallel_loop3A_382, %parallel_loop3A_383] {strides = array<i32>} : memref<64x128xf32, #tpu.memory_space<vmem>>, vector<1x16xf32>,
          %parallel_loop3A_385 = vector.shape_cast %parallel_loop3A_384 : vector<1x16xf32> to vector<16xf32>
          %parallel_loop3A_386 = arith.index_cast %parallel_loop3A_274 : i32 to index
          %parallel_loop3A_387 = arith.constant 112 : index
          %parallel_loop3A_388 = tpu.vector_load %arg13[%parallel_loop3A_386, %parallel_loop3A_387] {strides = array<i32>} : memref<64x128xf32, #tpu.memory_space<vmem>>, vector<1x16xf32>,
          %parallel_loop3A_389 = vector.shape_cast %parallel_loop3A_388 : vector<1x16xf32> to vector<16xf32>
          %parallel_loop3A_390 = arith.subf %parallel_loop3A_385, %parallel_loop3A_389 : vector<16xf32>
          %parallel_loop3A_391 = arith.mulf %parallel_loop3A_381, %parallel_loop3A_390 : vector<16xf32>
          %parallel_loop3A_392 = arith.addf %parallel_loop3A_377, %parallel_loop3A_391 : vector<16xf32>
          %parallel_loop3A_393 = arith.addf %parallel_loop3A_333, %parallel_loop3A_392 : vector<16xf32>
          %parallel_loop3A_394 = arith.constant 8 : i32
          %parallel_loop3A_395 = vector.broadcast %parallel_loop3A_394 : i32 to vector<16xi32>
          %parallel_loop3A_396 = arith.andi %iota3A, %parallel_loop3A_395 : vector<16xi32>
          %parallel_loop3A_397 = arith.constant 0 : i32
          %parallel_loop3A_398 = vector.broadcast %parallel_loop3A_397 : i32 to vector<16xi32>
          %parallel_loop3A_399 = arith.cmpi eq, %parallel_loop3A_396, %parallel_loop3A_398 : vector<16xi32>
          %parallel_loop3A_400 = arith.constant 8 : i32
          %parallel_loop3A_401 = vector.broadcast %parallel_loop3A_400 : i32 to vector<16xi32>
          %parallel_loop3A_402 = arith.xori %iota3A, %parallel_loop3A_401 : vector<16xi32>
          %parallel_loop3A_403 = vector.shape_cast %parallel_loop3A_402 : vector<16xi32> to vector<16x1xi32>
          %parallel_loop3A_404 = vector.shape_cast %parallel_loop3A_403 : vector<16x1xi32> to vector<16xi32>
          %parallel_loop3A_405 = tpu.dynamic_gather %parallel_loop3A_272[%parallel_loop3A_404] in [0] : vector<16xf32>, vector<16xi32> -> vector<16xf32>
          %parallel_loop3A_406 = arith.addf %parallel_loop3A_272, %parallel_loop3A_405 : vector<16xf32>
          %parallel_loop3A_407 = arith.constant 8 : i32
          %parallel_loop3A_408 = vector.broadcast %parallel_loop3A_407 : i32 to vector<16xi32>
          %parallel_loop3A_409 = arith.xori %iota3A, %parallel_loop3A_408 : vector<16xi32>
          %parallel_loop3A_410 = vector.shape_cast %parallel_loop3A_409 : vector<16xi32> to vector<16x1xi32>
          %parallel_loop3A_411 = vector.shape_cast %parallel_loop3A_410 : vector<16x1xi32> to vector<16xi32>
          %parallel_loop3A_412 = tpu.dynamic_gather %parallel_loop3A_393[%parallel_loop3A_411] in [0] : vector<16xf32>, vector<16xi32> -> vector<16xf32>
          %parallel_loop3A_413 = arith.addf %parallel_loop3A_393, %parallel_loop3A_412 : vector<16xf32>
          %parallel_loop3A_414 = arith.select %parallel_loop3A_399, %parallel_loop3A_406, %parallel_loop3A_413 : vector<16xi1>, vector<16xf32>
          %parallel_loop3A_415 = arith.constant 16 : i32
          %parallel_loop3A_416 = arith.muli %parallel_loop3A_98, %parallel_loop3A_415 : i32
          %parallel_loop3A_417 = arith.index_cast %parallel_loop3A_416 : i32 to index
          %parallel_loop3A_418 = tpu.vector_load %arg18[%parallel_loop3A_417] {strides = array<i32>} : memref<512xf32, #tpu.memory_space<vmem>>, vector<16xf32>,
          %parallel_loop3A_419 = vector.shape_cast %parallel_loop3A_418 : vector<16xf32> to vector<16xf32>
          %parallel_loop3A_420 = vector.shape_cast %parallel_loop3A_414 : vector<16xf32> to vector<16xf32>
          tpu.vector_store %arg18[%parallel_loop3A_417], %parallel_loop3A_420 {strides = array<i32>} : memref<512xf32, #tpu.memory_space<vmem>>, vector<16xf32>,
        } {sc.loop_unroll_factor = 2 : i64, sc.parallel_access}
        %scan3A_91 = arith.constant 0 : i32
        %scan3A_92 = arith.constant 0 : i32
        %scan3A_93 = arith.constant 4 : i32
        %scan3A_94 = arith.addi %scan3A_92, %scan3A_93 : i32
        %scan3A_95 = arith.constant 1 : i32
        %scan3A_96 = scf.for %scan3A_98 = %scan3A_92 to %scan3A_94 step %scan3A_95 iter_args(%scan3A_99 = %scan3A_91) -> (i32)  : i32 {
          %mul3A_100 = arith.constant 8 : i32
          %mul3A_101 = arith.muli %scan3A_98, %mul3A_100 : i32
          %add3A_102 = arith.constant 0 : i32
          %add3A_103 = arith.addi %mul3A_101, %add3A_102 : i32
          %mul3A_104 = arith.constant 16 : i32
          %mul3A_105 = arith.muli %add3A_103, %mul3A_104 : i32
          %get3A = arith.index_cast %mul3A_105 : i32 to index
          %get3A_106 = tpu.vector_load %arg18[%get3A] {strides = array<i32>} : memref<512xf32, #tpu.memory_space<vmem>>, vector<16xf32>,
          %get3A_107 = vector.shape_cast %get3A_106 : vector<16xf32> to vector<16xf32>
          %mul3A_108 = arith.constant 8 : i32
          %mul3A_109 = arith.muli %scan3A_98, %mul3A_108 : i32
          %add3A_110 = arith.constant 1 : i32
          %add3A_111 = arith.addi %mul3A_109, %add3A_110 : i32
          %mul3A_112 = arith.constant 16 : i32
          %mul3A_113 = arith.muli %add3A_111, %mul3A_112 : i32
          %get3A_114 = arith.index_cast %mul3A_113 : i32 to index
          %get3A_115 = tpu.vector_load %arg18[%get3A_114] {strides = array<i32>} : memref<512xf32, #tpu.memory_space<vmem>>, vector<16xf32>,
          %get3A_116 = vector.shape_cast %get3A_115 : vector<16xf32> to vector<16xf32>
          %mul3A_117 = arith.constant 8 : i32
          %mul3A_118 = arith.muli %scan3A_98, %mul3A_117 : i32
          %add3A_119 = arith.constant 2 : i32
          %add3A_120 = arith.addi %mul3A_118, %add3A_119 : i32
          %mul3A_121 = arith.constant 16 : i32
          %mul3A_122 = arith.muli %add3A_120, %mul3A_121 : i32
          %get3A_123 = arith.index_cast %mul3A_122 : i32 to index
          %get3A_124 = tpu.vector_load %arg18[%get3A_123] {strides = array<i32>} : memref<512xf32, #tpu.memory_space<vmem>>, vector<16xf32>,
          %get3A_125 = vector.shape_cast %get3A_124 : vector<16xf32> to vector<16xf32>
          %mul3A_126 = arith.constant 8 : i32
          %mul3A_127 = arith.muli %scan3A_98, %mul3A_126 : i32
          %add3A_128 = arith.constant 3 : i32
          %add3A_129 = arith.addi %mul3A_127, %add3A_128 : i32
          %mul3A_130 = arith.constant 16 : i32
          %mul3A_131 = arith.muli %add3A_129, %mul3A_130 : i32
          %get3A_132 = arith.index_cast %mul3A_131 : i32 to index
          %get3A_133 = tpu.vector_load %arg18[%get3A_132] {strides = array<i32>} : memref<512xf32, #tpu.memory_space<vmem>>, vector<16xf32>,
          %get3A_134 = vector.shape_cast %get3A_133 : vector<16xf32> to vector<16xf32>
          %mul3A_135 = arith.constant 8 : i32
          %mul3A_136 = arith.muli %scan3A_98, %mul3A_135 : i32
          %add3A_137 = arith.constant 4 : i32
          %add3A_138 = arith.addi %mul3A_136, %add3A_137 : i32
          %mul3A_139 = arith.constant 16 : i32
          %mul3A_140 = arith.muli %add3A_138, %mul3A_139 : i32
          %get3A_141 = arith.index_cast %mul3A_140 : i32 to index
          %get3A_142 = tpu.vector_load %arg18[%get3A_141] {strides = array<i32>} : memref<512xf32, #tpu.memory_space<vmem>>, vector<16xf32>,
          %get3A_143 = vector.shape_cast %get3A_142 : vector<16xf32> to vector<16xf32>
          %mul3A_144 = arith.constant 8 : i32
          %mul3A_145 = arith.muli %scan3A_98, %mul3A_144 : i32
          %add3A_146 = arith.constant 5 : i32
          %add3A_147 = arith.addi %mul3A_145, %add3A_146 : i32
          %mul3A_148 = arith.constant 16 : i32
          %mul3A_149 = arith.muli %add3A_147, %mul3A_148 : i32
          %get3A_150 = arith.index_cast %mul3A_149 : i32 to index
          %get3A_151 = tpu.vector_load %arg18[%get3A_150] {strides = array<i32>} : memref<512xf32, #tpu.memory_space<vmem>>, vector<16xf32>,
          %get3A_152 = vector.shape_cast %get3A_151 : vector<16xf32> to vector<16xf32>
          %mul3A_153 = arith.constant 8 : i32
          %mul3A_154 = arith.muli %scan3A_98, %mul3A_153 : i32
          %add3A_155 = arith.constant 6 : i32
          %add3A_156 = arith.addi %mul3A_154, %add3A_155 : i32
          %mul3A_157 = arith.constant 16 : i32
          %mul3A_158 = arith.muli %add3A_156, %mul3A_157 : i32
          %get3A_159 = arith.index_cast %mul3A_158 : i32 to index
          %get3A_160 = tpu.vector_load %arg18[%get3A_159] {strides = array<i32>} : memref<512xf32, #tpu.memory_space<vmem>>, vector<16xf32>,
          %get3A_161 = vector.shape_cast %get3A_160 : vector<16xf32> to vector<16xf32>
          %mul3A_162 = arith.constant 8 : i32
          %mul3A_163 = arith.muli %scan3A_98, %mul3A_162 : i32
          %add3A_164 = arith.constant 7 : i32
          %add3A_165 = arith.addi %mul3A_163, %add3A_164 : i32
          %mul3A_166 = arith.constant 16 : i32
          %mul3A_167 = arith.muli %add3A_165, %mul3A_166 : i32
          %get3A_168 = arith.index_cast %mul3A_167 : i32 to index
          %get3A_169 = tpu.vector_load %arg18[%get3A_168] {strides = array<i32>} : memref<512xf32, #tpu.memory_space<vmem>>, vector<16xf32>,
          %get3A_170 = vector.shape_cast %get3A_169 : vector<16xf32> to vector<16xf32>
          %and3A_171 = arith.constant 4 : i32
          %and3A_172 = vector.broadcast %and3A_171 : i32 to vector<16xi32>
          %and3A_173 = arith.andi %iota3A, %and3A_172 : vector<16xi32>
          %eq3A_174 = arith.constant 0 : i32
          %eq3A_175 = vector.broadcast %eq3A_174 : i32 to vector<16xi32>
          %eq3A_176 = arith.cmpi eq, %and3A_173, %eq3A_175 : vector<16xi32>
          %xor3A = arith.constant 4 : i32
          %xor3A_177 = vector.broadcast %xor3A : i32 to vector<16xi32>
          %xor3A_178 = arith.xori %iota3A, %xor3A_177 : vector<16xi32>
          %broadcast_in_dim3A = vector.shape_cast %xor3A_178 : vector<16xi32> to vector<16x1xi32>
          %gather3A = vector.shape_cast %broadcast_in_dim3A : vector<16x1xi32> to vector<16xi32>
          %gather3A_179 = tpu.dynamic_gather %get3A_107[%gather3A] in [0] : vector<16xf32>, vector<16xi32> -> vector<16xf32>
          %add3A_180 = arith.addf %get3A_107, %gather3A_179 : vector<16xf32>
          %xor3A_181 = arith.constant 4 : i32
          %xor3A_182 = vector.broadcast %xor3A_181 : i32 to vector<16xi32>
          %xor3A_183 = arith.xori %iota3A, %xor3A_182 : vector<16xi32>
          %broadcast_in_dim3A_184 = vector.shape_cast %xor3A_183 : vector<16xi32> to vector<16x1xi32>
          %gather3A_185 = vector.shape_cast %broadcast_in_dim3A_184 : vector<16x1xi32> to vector<16xi32>
          %gather3A_186 = tpu.dynamic_gather %get3A_116[%gather3A_185] in [0] : vector<16xf32>, vector<16xi32> -> vector<16xf32>
          %add3A_187 = arith.addf %get3A_116, %gather3A_186 : vector<16xf32>
          %select_n3A_188 = arith.select %eq3A_176, %add3A_180, %add3A_187 : vector<16xi1>, vector<16xf32>
          %and3A_189 = arith.constant 4 : i32
          %and3A_190 = vector.broadcast %and3A_189 : i32 to vector<16xi32>
          %and3A_191 = arith.andi %iota3A, %and3A_190 : vector<16xi32>
          %eq3A_192 = arith.constant 0 : i32
          %eq3A_193 = vector.broadcast %eq3A_192 : i32 to vector<16xi32>
          %eq3A_194 = arith.cmpi eq, %and3A_191, %eq3A_193 : vector<16xi32>
          %xor3A_195 = arith.constant 4 : i32
          %xor3A_196 = vector.broadcast %xor3A_195 : i32 to vector<16xi32>
          %xor3A_197 = arith.xori %iota3A, %xor3A_196 : vector<16xi32>
          %broadcast_in_dim3A_198 = vector.shape_cast %xor3A_197 : vector<16xi32> to vector<16x1xi32>
          %gather3A_199 = vector.shape_cast %broadcast_in_dim3A_198 : vector<16x1xi32> to vector<16xi32>
          %gather3A_200 = tpu.dynamic_gather %get3A_125[%gather3A_199] in [0] : vector<16xf32>, vector<16xi32> -> vector<16xf32>
          %add3A_201 = arith.addf %get3A_125, %gather3A_200 : vector<16xf32>
          %xor3A_202 = arith.constant 4 : i32
          %xor3A_203 = vector.broadcast %xor3A_202 : i32 to vector<16xi32>
          %xor3A_204 = arith.xori %iota3A, %xor3A_203 : vector<16xi32>
          %broadcast_in_dim3A_205 = vector.shape_cast %xor3A_204 : vector<16xi32> to vector<16x1xi32>
          %gather3A_206 = vector.shape_cast %broadcast_in_dim3A_205 : vector<16x1xi32> to vector<16xi32>
          %gather3A_207 = tpu.dynamic_gather %get3A_134[%gather3A_206] in [0] : vector<16xf32>, vector<16xi32> -> vector<16xf32>
          %add3A_208 = arith.addf %get3A_134, %gather3A_207 : vector<16xf32>
          %select_n3A_209 = arith.select %eq3A_194, %add3A_201, %add3A_208 : vector<16xi1>, vector<16xf32>
          %and3A_210 = arith.constant 4 : i32
          %and3A_211 = vector.broadcast %and3A_210 : i32 to vector<16xi32>
          %and3A_212 = arith.andi %iota3A, %and3A_211 : vector<16xi32>
          %eq3A_213 = arith.constant 0 : i32
          %eq3A_214 = vector.broadcast %eq3A_213 : i32 to vector<16xi32>
          %eq3A_215 = arith.cmpi eq, %and3A_212, %eq3A_214 : vector<16xi32>
          %xor3A_216 = arith.constant 4 : i32
          %xor3A_217 = vector.broadcast %xor3A_216 : i32 to vector<16xi32>
          %xor3A_218 = arith.xori %iota3A, %xor3A_217 : vector<16xi32>
          %broadcast_in_dim3A_219 = vector.shape_cast %xor3A_218 : vector<16xi32> to vector<16x1xi32>
          %gather3A_220 = vector.shape_cast %broadcast_in_dim3A_219 : vector<16x1xi32> to vector<16xi32>
          %gather3A_221 = tpu.dynamic_gather %get3A_143[%gather3A_220] in [0] : vector<16xf32>, vector<16xi32> -> vector<16xf32>
          %add3A_222 = arith.addf %get3A_143, %gather3A_221 : vector<16xf32>
          %xor3A_223 = arith.constant 4 : i32
          %xor3A_224 = vector.broadcast %xor3A_223 : i32 to vector<16xi32>
          %xor3A_225 = arith.xori %iota3A, %xor3A_224 : vector<16xi32>
          %broadcast_in_dim3A_226 = vector.shape_cast %xor3A_225 : vector<16xi32> to vector<16x1xi32>
          %gather3A_227 = vector.shape_cast %broadcast_in_dim3A_226 : vector<16x1xi32> to vector<16xi32>
          %gather3A_228 = tpu.dynamic_gather %get3A_152[%gather3A_227] in [0] : vector<16xf32>, vector<16xi32> -> vector<16xf32>
          %add3A_229 = arith.addf %get3A_152, %gather3A_228 : vector<16xf32>
          %select_n3A_230 = arith.select %eq3A_215, %add3A_222, %add3A_229 : vector<16xi1>, vector<16xf32>
          %and3A_231 = arith.constant 4 : i32
          %and3A_232 = vector.broadcast %and3A_231 : i32 to vector<16xi32>
          %and3A_233 = arith.andi %iota3A, %and3A_232 : vector<16xi32>
          %eq3A_234 = arith.constant 0 : i32
          %eq3A_235 = vector.broadcast %eq3A_234 : i32 to vector<16xi32>
          %eq3A_236 = arith.cmpi eq, %and3A_233, %eq3A_235 : vector<16xi32>
          %xor3A_237 = arith.constant 4 : i32
          %xor3A_238 = vector.broadcast %xor3A_237 : i32 to vector<16xi32>
          %xor3A_239 = arith.xori %iota3A, %xor3A_238 : vector<16xi32>
          %broadcast_in_dim3A_240 = vector.shape_cast %xor3A_239 : vector<16xi32> to vector<16x1xi32>
          %gather3A_241 = vector.shape_cast %broadcast_in_dim3A_240 : vector<16x1xi32> to vector<16xi32>
          %gather3A_242 = tpu.dynamic_gather %get3A_161[%gather3A_241] in [0] : vector<16xf32>, vector<16xi32> -> vector<16xf32>
          %add3A_243 = arith.addf %get3A_161, %gather3A_242 : vector<16xf32>
          %xor3A_244 = arith.constant 4 : i32
          %xor3A_245 = vector.broadcast %xor3A_244 : i32 to vector<16xi32>
          %xor3A_246 = arith.xori %iota3A, %xor3A_245 : vector<16xi32>
          %broadcast_in_dim3A_247 = vector.shape_cast %xor3A_246 : vector<16xi32> to vector<16x1xi32>
          %gather3A_248 = vector.shape_cast %broadcast_in_dim3A_247 : vector<16x1xi32> to vector<16xi32>
          %gather3A_249 = tpu.dynamic_gather %get3A_170[%gather3A_248] in [0] : vector<16xf32>, vector<16xi32> -> vector<16xf32>
          %add3A_250 = arith.addf %get3A_170, %gather3A_249 : vector<16xf32>
          %select_n3A_251 = arith.select %eq3A_236, %add3A_243, %add3A_250 : vector<16xi1>, vector<16xf32>
          %and3A_252 = arith.constant 2 : i32
          %and3A_253 = vector.broadcast %and3A_252 : i32 to vector<16xi32>
          %and3A_254 = arith.andi %iota3A, %and3A_253 : vector<16xi32>
          %eq3A_255 = arith.constant 0 : i32
          %eq3A_256 = vector.broadcast %eq3A_255 : i32 to vector<16xi32>
          %eq3A_257 = arith.cmpi eq, %and3A_254, %eq3A_256 : vector<16xi32>
          %xor3A_258 = arith.constant 2 : i32
          %xor3A_259 = vector.broadcast %xor3A_258 : i32 to vector<16xi32>
          %xor3A_260 = arith.xori %iota3A, %xor3A_259 : vector<16xi32>
          %broadcast_in_dim3A_261 = vector.shape_cast %xor3A_260 : vector<16xi32> to vector<16x1xi32>
          %gather3A_262 = vector.shape_cast %broadcast_in_dim3A_261 : vector<16x1xi32> to vector<16xi32>
          %gather3A_263 = tpu.dynamic_gather %select_n3A_188[%gather3A_262] in [0] : vector<16xf32>, vector<16xi32> -> vector<16xf32>
          %add3A_264 = arith.addf %select_n3A_188, %gather3A_263 : vector<16xf32>
          %xor3A_265 = arith.constant 2 : i32
          %xor3A_266 = vector.broadcast %xor3A_265 : i32 to vector<16xi32>
          %xor3A_267 = arith.xori %iota3A, %xor3A_266 : vector<16xi32>
          %broadcast_in_dim3A_268 = vector.shape_cast %xor3A_267 : vector<16xi32> to vector<16x1xi32>
          %gather3A_269 = vector.shape_cast %broadcast_in_dim3A_268 : vector<16x1xi32> to vector<16xi32>
          %gather3A_270 = tpu.dynamic_gather %select_n3A_209[%gather3A_269] in [0] : vector<16xf32>, vector<16xi32> -> vector<16xf32>
          %add3A_271 = arith.addf %select_n3A_209, %gather3A_270 : vector<16xf32>
          %select_n3A_272 = arith.select %eq3A_257, %add3A_264, %add3A_271 : vector<16xi1>, vector<16xf32>
          %and3A_273 = arith.constant 2 : i32
          %and3A_274 = vector.broadcast %and3A_273 : i32 to vector<16xi32>
          %and3A_275 = arith.andi %iota3A, %and3A_274 : vector<16xi32>
          %eq3A_276 = arith.constant 0 : i32
          %eq3A_277 = vector.broadcast %eq3A_276 : i32 to vector<16xi32>
          %eq3A_278 = arith.cmpi eq, %and3A_275, %eq3A_277 : vector<16xi32>
          %xor3A_279 = arith.constant 2 : i32
          %xor3A_280 = vector.broadcast %xor3A_279 : i32 to vector<16xi32>
          %xor3A_281 = arith.xori %iota3A, %xor3A_280 : vector<16xi32>
          %broadcast_in_dim3A_282 = vector.shape_cast %xor3A_281 : vector<16xi32> to vector<16x1xi32>
          %gather3A_283 = vector.shape_cast %broadcast_in_dim3A_282 : vector<16x1xi32> to vector<16xi32>
          %gather3A_284 = tpu.dynamic_gather %select_n3A_230[%gather3A_283] in [0] : vector<16xf32>, vector<16xi32> -> vector<16xf32>
          %add3A_285 = arith.addf %select_n3A_230, %gather3A_284 : vector<16xf32>
          %xor3A_286 = arith.constant 2 : i32
          %xor3A_287 = vector.broadcast %xor3A_286 : i32 to vector<16xi32>
          %xor3A_288 = arith.xori %iota3A, %xor3A_287 : vector<16xi32>
          %broadcast_in_dim3A_289 = vector.shape_cast %xor3A_288 : vector<16xi32> to vector<16x1xi32>
          %gather3A_290 = vector.shape_cast %broadcast_in_dim3A_289 : vector<16x1xi32> to vector<16xi32>
          %gather3A_291 = tpu.dynamic_gather %select_n3A_251[%gather3A_290] in [0] : vector<16xf32>, vector<16xi32> -> vector<16xf32>
          %add3A_292 = arith.addf %select_n3A_251, %gather3A_291 : vector<16xf32>
          %select_n3A_293 = arith.select %eq3A_278, %add3A_285, %add3A_292 : vector<16xi1>, vector<16xf32>
          %and3A_294 = arith.constant 1 : i32
          %and3A_295 = vector.broadcast %and3A_294 : i32 to vector<16xi32>
          %and3A_296 = arith.andi %iota3A, %and3A_295 : vector<16xi32>
          %eq3A_297 = arith.constant 0 : i32
          %eq3A_298 = vector.broadcast %eq3A_297 : i32 to vector<16xi32>
          %eq3A_299 = arith.cmpi eq, %and3A_296, %eq3A_298 : vector<16xi32>
          %xor3A_300 = arith.constant 1 : i32
          %xor3A_301 = vector.broadcast %xor3A_300 : i32 to vector<16xi32>
          %xor3A_302 = arith.xori %iota3A, %xor3A_301 : vector<16xi32>
          %broadcast_in_dim3A_303 = vector.shape_cast %xor3A_302 : vector<16xi32> to vector<16x1xi32>
          %gather3A_304 = vector.shape_cast %broadcast_in_dim3A_303 : vector<16x1xi32> to vector<16xi32>
          %gather3A_305 = tpu.dynamic_gather %select_n3A_272[%gather3A_304] in [0] : vector<16xf32>, vector<16xi32> -> vector<16xf32>
          %add3A_306 = arith.addf %select_n3A_272, %gather3A_305 : vector<16xf32>
          %xor3A_307 = arith.constant 1 : i32
          %xor3A_308 = vector.broadcast %xor3A_307 : i32 to vector<16xi32>
          %xor3A_309 = arith.xori %iota3A, %xor3A_308 : vector<16xi32>
          %broadcast_in_dim3A_310 = vector.shape_cast %xor3A_309 : vector<16xi32> to vector<16x1xi32>
          %gather3A_311 = vector.shape_cast %broadcast_in_dim3A_310 : vector<16x1xi32> to vector<16xi32>
          %gather3A_312 = tpu.dynamic_gather %select_n3A_293[%gather3A_311] in [0] : vector<16xf32>, vector<16xi32> -> vector<16xf32>
          %add3A_313 = arith.addf %select_n3A_293, %gather3A_312 : vector<16xf32>
          %select_n3A_314 = arith.select %eq3A_299, %add3A_306, %add3A_313 : vector<16xi1>, vector<16xf32>
          %mul3A_315 = arith.constant 64 : i32
          %mul3A_316 = arith.muli %scan3A_34, %mul3A_315 : i32
          %mul3A_317 = arith.constant 16 : i32
          %mul3A_318 = arith.muli %scan3A_98, %mul3A_317 : i32
          %add3A_319 = arith.addi %mul3A_316, %mul3A_318 : i32
          %swap3A = arith.index_cast %add3A_319 : i32 to index
          %swap3A_320 = tpu.vector_load %arg17[%swap3A] {strides = array<i32>} : memref<512xf32, #tpu.memory_space<vmem>>, vector<16xf32>,
          %swap3A_321 = vector.shape_cast %swap3A_320 : vector<16xf32> to vector<16xf32>
          %swap3A_322 = vector.shape_cast %select_n3A_314 : vector<16xf32> to vector<16xf32>
          tpu.vector_store %arg17[%swap3A], %swap3A_322 {strides = array<i32>} : memref<512xf32, #tpu.memory_space<vmem>>, vector<16xf32>,
          %scan3A_323 = arith.constant 0 : i32
          scf.yield %scan3A_323 : i32
        }
        %scan3A_97 = arith.constant 4 : i32
      } else {
      }
      %not3A_65 = arith.constant true
      %not3A_66 = arith.xori %eq3A_46, %not3A_65 : i1
      %convert_element_type3A_67 = arith.extui %not3A_66 : i1 to i32
      %cond3A_68 = arith.constant 0 : i32
      %cond3A_69 = arith.cmpi ne, %convert_element_type3A_67, %cond3A_68 : i32
      scf.if %cond3A_69 {
        %dma_wait3A_71 = arith.constant 0 : i32
        %dma_wait3A_72 = arith.constant 0 : i32
        %dma_wait3A_73 = tpu.memref_slice %arg5[%dma_wait3A_71, %dma_wait3A_72] : memref<100000x128xf32, #tpu.memory_space<hbm>> -> memref<64x128xf32, #tpu.memory_space<hbm>>
        %dma_wait3A_74 = arith.constant 0 : i32
        %dma_wait3A_75 = arith.constant 0 : i32
        %dma_wait3A_76 = tpu.memref_slice %arg5[%dma_wait3A_74, %dma_wait3A_75] : memref<100000x128xf32, #tpu.memory_space<hbm>> -> memref<64x128xf32, #tpu.memory_space<hbm>>
        tpu.wait_dma2 semaphore(%arg21 : memref<!tpu.dma_semaphore, #tpu.memory_space<semaphore_mem>>) src(%dma_wait3A_76 : memref<64x128xf32, #tpu.memory_space<hbm>>) dst(%arg14 : memref<64x128xf32, #tpu.memory_space<vmem>>)
        %dma_wait3A_77 = arith.constant 0 : i32
        %dma_wait3A_78 = arith.constant 0 : i32
        %dma_wait3A_79 = tpu.memref_slice %arg5[%dma_wait3A_77, %dma_wait3A_78] : memref<100000x128xf32, #tpu.memory_space<hbm>> -> memref<64x128xf32, #tpu.memory_space<hbm>>
        %dma_wait3A_80 = arith.constant 0 : i32
        %dma_wait3A_81 = arith.constant 0 : i32
        %dma_wait3A_82 = tpu.memref_slice %arg5[%dma_wait3A_80, %dma_wait3A_81] : memref<100000x128xf32, #tpu.memory_space<hbm>> -> memref<64x128xf32, #tpu.memory_space<hbm>>
        tpu.wait_dma2 semaphore(%arg21 : memref<!tpu.dma_semaphore, #tpu.memory_space<semaphore_mem>>) src(%dma_wait3A_82 : memref<64x128xf32, #tpu.memory_space<hbm>>) dst(%arg15 : memref<64x128xf32, #tpu.memory_space<vmem>>)
        %dma_wait3A_83 = arith.constant 0 : i32
        %dma_wait3A_84 = arith.constant 0 : i32
        %dma_wait3A_85 = tpu.memref_slice %arg5[%dma_wait3A_83, %dma_wait3A_84] : memref<100000x128xf32, #tpu.memory_space<hbm>> -> memref<64x128xf32, #tpu.memory_space<hbm>>
        %dma_wait3A_86 = arith.constant 0 : i32
        %dma_wait3A_87 = arith.constant 0 : i32
        %dma_wait3A_88 = tpu.memref_slice %arg5[%dma_wait3A_86, %dma_wait3A_87] : memref<100000x128xf32, #tpu.memory_space<hbm>> -> memref<64x128xf32, #tpu.memory_space<hbm>>
        tpu.wait_dma2 semaphore(%arg21 : memref<!tpu.dma_semaphore, #tpu.memory_space<semaphore_mem>>) src(%dma_wait3A_88 : memref<64x128xf32, #tpu.memory_space<hbm>>) dst(%arg16 : memref<64x128xf32, #tpu.memory_space<vmem>>)
        %iota3A = tpu.iota {dimensions = array<i32: 0>} : vector<16xi32>
        %parallel_loop3A = arith.constant 0 : i32
        %parallel_loop3A_89 = arith.constant 32 : i32
        %parallel_loop3A_90 = arith.constant 1 : i32
        scf.for %parallel_loop3A_98 = %parallel_loop3A to %parallel_loop3A_89 step %parallel_loop3A_90  : i32 {
          %parallel_loop3A_99 = arith.constant 8 : i32
          %parallel_loop3A_100 = arith.divsi %parallel_loop3A_98, %parallel_loop3A_99 : i32
          %parallel_loop3A_101 = arith.constant 0 : i32
          %parallel_loop3A_102 = arith.cmpi sgt, %parallel_loop3A_98, %parallel_loop3A_101 : i32
          %parallel_loop3A_103 = arith.extui %parallel_loop3A_102 : i1 to i32
          %parallel_loop3A_104 = arith.constant 0 : i32
          %parallel_loop3A_105 = arith.cmpi slt, %parallel_loop3A_98, %parallel_loop3A_104 : i32
          %parallel_loop3A_106 = arith.extui %parallel_loop3A_105 : i1 to i32
          %parallel_loop3A_107 = arith.subi %parallel_loop3A_103, %parallel_loop3A_106 : i32
          %parallel_loop3A_108 = arith.constant 0 : i32
          %parallel_loop3A_109 = arith.cmpi sgt, %parallel_loop3A_99, %parallel_loop3A_108 : i32
          %parallel_loop3A_110 = arith.extui %parallel_loop3A_109 : i1 to i32
          %parallel_loop3A_111 = arith.constant 0 : i32
          %parallel_loop3A_112 = arith.cmpi slt, %parallel_loop3A_99, %parallel_loop3A_111 : i32
          %parallel_loop3A_113 = arith.extui %parallel_loop3A_112 : i1 to i32
          %parallel_loop3A_114 = arith.subi %parallel_loop3A_110, %parallel_loop3A_113 : i32
          %parallel_loop3A_115 = arith.cmpi ne, %parallel_loop3A_107, %parallel_loop3A_114 : i32
          %parallel_loop3A_116 = arith.remsi %parallel_loop3A_98, %parallel_loop3A_99 : i32
          %parallel_loop3A_117 = arith.constant 0 : i32
          %parallel_loop3A_118 = arith.cmpi ne, %parallel_loop3A_116, %parallel_loop3A_117 : i32
          %parallel_loop3A_119 = arith.andi %parallel_loop3A_115, %parallel_loop3A_118 : i1
          %parallel_loop3A_120 = arith.constant 1 : i32
          %parallel_loop3A_121 = arith.subi %parallel_loop3A_100, %parallel_loop3A_120 : i32
          %parallel_loop3A_122 = arith.select %parallel_loop3A_119, %parallel_loop3A_121, %parallel_loop3A_100 : i32
          %parallel_loop3A_123 = arith.constant 8 : i32
          %parallel_loop3A_124 = arith.constant 0 : i32
          %parallel_loop3A_125 = arith.cmpi eq, %parallel_loop3A_123, %parallel_loop3A_124 : i32
          %parallel_loop3A_126 = arith.constant 1 : i32
          %parallel_loop3A_127 = arith.select %parallel_loop3A_125, %parallel_loop3A_126, %parallel_loop3A_123 : i32
          %parallel_loop3A_128 = arith.remsi %parallel_loop3A_98, %parallel_loop3A_127 : i32
          %parallel_loop3A_129 = arith.constant 0 : i32
          %parallel_loop3A_130 = arith.cmpi ne, %parallel_loop3A_128, %parallel_loop3A_129 : i32
          %parallel_loop3A_131 = arith.constant 0 : i32
          %parallel_loop3A_132 = arith.cmpi slt, %parallel_loop3A_128, %parallel_loop3A_131 : i32
          %parallel_loop3A_133 = arith.constant 0 : i32
          %parallel_loop3A_134 = arith.cmpi slt, %parallel_loop3A_127, %parallel_loop3A_133 : i32
          %parallel_loop3A_135 = arith.xori %parallel_loop3A_132, %parallel_loop3A_134 : i1
          %parallel_loop3A_136 = arith.andi %parallel_loop3A_135, %parallel_loop3A_130 : i1
          %parallel_loop3A_137 = arith.addi %parallel_loop3A_128, %parallel_loop3A_127 : i32
          %parallel_loop3A_138 = arith.select %parallel_loop3A_136, %parallel_loop3A_137, %parallel_loop3A_128 : i32
          %parallel_loop3A_139 = arith.constant 1 : i32
          %parallel_loop3A_140 = arith.andi %parallel_loop3A_138, %parallel_loop3A_139 : i32
          %parallel_loop3A_141 = arith.constant 2 : i32
          %parallel_loop3A_142 = arith.shli %parallel_loop3A_140, %parallel_loop3A_141 : i32
          %parallel_loop3A_143 = arith.constant 2 : i32
          %parallel_loop3A_144 = arith.andi %parallel_loop3A_138, %parallel_loop3A_143 : i32
          %parallel_loop3A_145 = arith.ori %parallel_loop3A_142, %parallel_loop3A_144 : i32
          %parallel_loop3A_146 = arith.constant 2 : i32
          %parallel_loop3A_147 = arith.shrsi %parallel_loop3A_138, %parallel_loop3A_146 : i32
          %parallel_loop3A_148 = arith.constant 1 : i32
          %parallel_loop3A_149 = arith.andi %parallel_loop3A_147, %parallel_loop3A_148 : i32
          %parallel_loop3A_150 = arith.ori %parallel_loop3A_145, %parallel_loop3A_149 : i32
          %parallel_loop3A_151 = arith.constant 16 : i32
          %parallel_loop3A_152 = arith.muli %parallel_loop3A_122, %parallel_loop3A_151 : i32
          %parallel_loop3A_153 = arith.addi %parallel_loop3A_152, %parallel_loop3A_150 : i32
          %parallel_loop3A_154 = arith.index_cast %parallel_loop3A_153 : i32 to index
          %parallel_loop3A_155 = arith.constant 0 : index
          %parallel_loop3A_156 = tpu.vector_load %arg14[%parallel_loop3A_154, %parallel_loop3A_155] {strides = array<i32>} : memref<64x128xf32, #tpu.memory_space<vmem>>, vector<1x16xf32>,
          %parallel_loop3A_157 = vector.shape_cast %parallel_loop3A_156 : vector<1x16xf32> to vector<16xf32>
          %parallel_loop3A_158 = arith.index_cast %parallel_loop3A_153 : i32 to index
          %parallel_loop3A_159 = arith.constant 0 : index
          %parallel_loop3A_160 = tpu.vector_load %arg15[%parallel_loop3A_158, %parallel_loop3A_159] {strides = array<i32>} : memref<64x128xf32, #tpu.memory_space<vmem>>, vector<1x16xf32>,
          %parallel_loop3A_161 = vector.shape_cast %parallel_loop3A_160 : vector<1x16xf32> to vector<16xf32>
          %parallel_loop3A_162 = arith.index_cast %parallel_loop3A_153 : i32 to index
          %parallel_loop3A_163 = arith.constant 0 : index
          %parallel_loop3A_164 = tpu.vector_load %arg16[%parallel_loop3A_162, %parallel_loop3A_163] {strides = array<i32>} : memref<64x128xf32, #tpu.memory_space<vmem>>, vector<1x16xf32>,
          %parallel_loop3A_165 = vector.shape_cast %parallel_loop3A_164 : vector<1x16xf32> to vector<16xf32>
          %parallel_loop3A_166 = arith.subf %parallel_loop3A_161, %parallel_loop3A_165 : vector<16xf32>
          %parallel_loop3A_167 = arith.mulf %parallel_loop3A_157, %parallel_loop3A_166 : vector<16xf32>
          %parallel_loop3A_168 = arith.index_cast %parallel_loop3A_153 : i32 to index
          %parallel_loop3A_169 = arith.constant 16 : index
          %parallel_loop3A_170 = tpu.vector_load %arg14[%parallel_loop3A_168, %parallel_loop3A_169] {strides = array<i32>} : memref<64x128xf32, #tpu.memory_space<vmem>>, vector<1x16xf32>,
          %parallel_loop3A_171 = vector.shape_cast %parallel_loop3A_170 : vector<1x16xf32> to vector<16xf32>
          %parallel_loop3A_172 = arith.index_cast %parallel_loop3A_153 : i32 to index
          %parallel_loop3A_173 = arith.constant 16 : index
          %parallel_loop3A_174 = tpu.vector_load %arg15[%parallel_loop3A_172, %parallel_loop3A_173] {strides = array<i32>} : memref<64x128xf32, #tpu.memory_space<vmem>>, vector<1x16xf32>,
          %parallel_loop3A_175 = vector.shape_cast %parallel_loop3A_174 : vector<1x16xf32> to vector<16xf32>
          %parallel_loop3A_176 = arith.index_cast %parallel_loop3A_153 : i32 to index
          %parallel_loop3A_177 = arith.constant 16 : index
          %parallel_loop3A_178 = tpu.vector_load %arg16[%parallel_loop3A_176, %parallel_loop3A_177] {strides = array<i32>} : memref<64x128xf32, #tpu.memory_space<vmem>>, vector<1x16xf32>,
          %parallel_loop3A_179 = vector.shape_cast %parallel_loop3A_178 : vector<1x16xf32> to vector<16xf32>
          %parallel_loop3A_180 = arith.subf %parallel_loop3A_175, %parallel_loop3A_179 : vector<16xf32>
          %parallel_loop3A_181 = arith.mulf %parallel_loop3A_171, %parallel_loop3A_180 : vector<16xf32>
          %parallel_loop3A_182 = arith.addf %parallel_loop3A_167, %parallel_loop3A_181 : vector<16xf32>
          %parallel_loop3A_183 = arith.index_cast %parallel_loop3A_153 : i32 to index
          %parallel_loop3A_184 = arith.constant 32 : index
          %parallel_loop3A_185 = tpu.vector_load %arg14[%parallel_loop3A_183, %parallel_loop3A_184] {strides = array<i32>} : memref<64x128xf32, #tpu.memory_space<vmem>>, vector<1x16xf32>,
          %parallel_loop3A_186 = vector.shape_cast %parallel_loop3A_185 : vector<1x16xf32> to vector<16xf32>
          %parallel_loop3A_187 = arith.index_cast %parallel_loop3A_153 : i32 to index
          %parallel_loop3A_188 = arith.constant 32 : index
          %parallel_loop3A_189 = tpu.vector_load %arg15[%parallel_loop3A_187, %parallel_loop3A_188] {strides = array<i32>} : memref<64x128xf32, #tpu.memory_space<vmem>>, vector<1x16xf32>,
          %parallel_loop3A_190 = vector.shape_cast %parallel_loop3A_189 : vector<1x16xf32> to vector<16xf32>
          %parallel_loop3A_191 = arith.index_cast %parallel_loop3A_153 : i32 to index
          %parallel_loop3A_192 = arith.constant 32 : index
          %parallel_loop3A_193 = tpu.vector_load %arg16[%parallel_loop3A_191, %parallel_loop3A_192] {strides = array<i32>} : memref<64x128xf32, #tpu.memory_space<vmem>>, vector<1x16xf32>,
          %parallel_loop3A_194 = vector.shape_cast %parallel_loop3A_193 : vector<1x16xf32> to vector<16xf32>
          %parallel_loop3A_195 = arith.subf %parallel_loop3A_190, %parallel_loop3A_194 : vector<16xf32>
          %parallel_loop3A_196 = arith.mulf %parallel_loop3A_186, %parallel_loop3A_195 : vector<16xf32>
          %parallel_loop3A_197 = arith.addf %parallel_loop3A_182, %parallel_loop3A_196 : vector<16xf32>
          %parallel_loop3A_198 = arith.index_cast %parallel_loop3A_153 : i32 to index
          %parallel_loop3A_199 = arith.constant 48 : index
          %parallel_loop3A_200 = tpu.vector_load %arg14[%parallel_loop3A_198, %parallel_loop3A_199] {strides = array<i32>} : memref<64x128xf32, #tpu.memory_space<vmem>>, vector<1x16xf32>,
          %parallel_loop3A_201 = vector.shape_cast %parallel_loop3A_200 : vector<1x16xf32> to vector<16xf32>
          %parallel_loop3A_202 = arith.index_cast %parallel_loop3A_153 : i32 to index
          %parallel_loop3A_203 = arith.constant 48 : index
          %parallel_loop3A_204 = tpu.vector_load %arg15[%parallel_loop3A_202, %parallel_loop3A_203] {strides = array<i32>} : memref<64x128xf32, #tpu.memory_space<vmem>>, vector<1x16xf32>,
          %parallel_loop3A_205 = vector.shape_cast %parallel_loop3A_204 : vector<1x16xf32> to vector<16xf32>
          %parallel_loop3A_206 = arith.index_cast %parallel_loop3A_153 : i32 to index
          %parallel_loop3A_207 = arith.constant 48 : index
          %parallel_loop3A_208 = tpu.vector_load %arg16[%parallel_loop3A_206, %parallel_loop3A_207] {strides = array<i32>} : memref<64x128xf32, #tpu.memory_space<vmem>>, vector<1x16xf32>,
          %parallel_loop3A_209 = vector.shape_cast %parallel_loop3A_208 : vector<1x16xf32> to vector<16xf32>
          %parallel_loop3A_210 = arith.subf %parallel_loop3A_205, %parallel_loop3A_209 : vector<16xf32>
          %parallel_loop3A_211 = arith.mulf %parallel_loop3A_201, %parallel_loop3A_210 : vector<16xf32>
          %parallel_loop3A_212 = arith.addf %parallel_loop3A_197, %parallel_loop3A_211 : vector<16xf32>
          %parallel_loop3A_213 = arith.index_cast %parallel_loop3A_153 : i32 to index
          %parallel_loop3A_214 = arith.constant 64 : index
          %parallel_loop3A_215 = tpu.vector_load %arg14[%parallel_loop3A_213, %parallel_loop3A_214] {strides = array<i32>} : memref<64x128xf32, #tpu.memory_space<vmem>>, vector<1x16xf32>,
          %parallel_loop3A_216 = vector.shape_cast %parallel_loop3A_215 : vector<1x16xf32> to vector<16xf32>
          %parallel_loop3A_217 = arith.index_cast %parallel_loop3A_153 : i32 to index
          %parallel_loop3A_218 = arith.constant 64 : index
          %parallel_loop3A_219 = tpu.vector_load %arg15[%parallel_loop3A_217, %parallel_loop3A_218] {strides = array<i32>} : memref<64x128xf32, #tpu.memory_space<vmem>>, vector<1x16xf32>,
          %parallel_loop3A_220 = vector.shape_cast %parallel_loop3A_219 : vector<1x16xf32> to vector<16xf32>
          %parallel_loop3A_221 = arith.index_cast %parallel_loop3A_153 : i32 to index
          %parallel_loop3A_222 = arith.constant 64 : index
          %parallel_loop3A_223 = tpu.vector_load %arg16[%parallel_loop3A_221, %parallel_loop3A_222] {strides = array<i32>} : memref<64x128xf32, #tpu.memory_space<vmem>>, vector<1x16xf32>,
          %parallel_loop3A_224 = vector.shape_cast %parallel_loop3A_223 : vector<1x16xf32> to vector<16xf32>
          %parallel_loop3A_225 = arith.subf %parallel_loop3A_220, %parallel_loop3A_224 : vector<16xf32>
          %parallel_loop3A_226 = arith.mulf %parallel_loop3A_216, %parallel_loop3A_225 : vector<16xf32>
          %parallel_loop3A_227 = arith.index_cast %parallel_loop3A_153 : i32 to index
          %parallel_loop3A_228 = arith.constant 80 : index
          %parallel_loop3A_229 = tpu.vector_load %arg14[%parallel_loop3A_227, %parallel_loop3A_228] {strides = array<i32>} : memref<64x128xf32, #tpu.memory_space<vmem>>, vector<1x16xf32>,
          %parallel_loop3A_230 = vector.shape_cast %parallel_loop3A_229 : vector<1x16xf32> to vector<16xf32>
          %parallel_loop3A_231 = arith.index_cast %parallel_loop3A_153 : i32 to index
          %parallel_loop3A_232 = arith.constant 80 : index
          %parallel_loop3A_233 = tpu.vector_load %arg15[%parallel_loop3A_231, %parallel_loop3A_232] {strides = array<i32>} : memref<64x128xf32, #tpu.memory_space<vmem>>, vector<1x16xf32>,
          %parallel_loop3A_234 = vector.shape_cast %parallel_loop3A_233 : vector<1x16xf32> to vector<16xf32>
          %parallel_loop3A_235 = arith.index_cast %parallel_loop3A_153 : i32 to index
          %parallel_loop3A_236 = arith.constant 80 : index
          %parallel_loop3A_237 = tpu.vector_load %arg16[%parallel_loop3A_235, %parallel_loop3A_236] {strides = array<i32>} : memref<64x128xf32, #tpu.memory_space<vmem>>, vector<1x16xf32>,
          %parallel_loop3A_238 = vector.shape_cast %parallel_loop3A_237 : vector<1x16xf32> to vector<16xf32>
          %parallel_loop3A_239 = arith.subf %parallel_loop3A_234, %parallel_loop3A_238 : vector<16xf32>
          %parallel_loop3A_240 = arith.mulf %parallel_loop3A_230, %parallel_loop3A_239 : vector<16xf32>
          %parallel_loop3A_241 = arith.addf %parallel_loop3A_226, %parallel_loop3A_240 : vector<16xf32>
          %parallel_loop3A_242 = arith.index_cast %parallel_loop3A_153 : i32 to index
          %parallel_loop3A_243 = arith.constant 96 : index
          %parallel_loop3A_244 = tpu.vector_load %arg14[%parallel_loop3A_242, %parallel_loop3A_243] {strides = array<i32>} : memref<64x128xf32, #tpu.memory_space<vmem>>, vector<1x16xf32>,
          %parallel_loop3A_245 = vector.shape_cast %parallel_loop3A_244 : vector<1x16xf32> to vector<16xf32>
          %parallel_loop3A_246 = arith.index_cast %parallel_loop3A_153 : i32 to index
          %parallel_loop3A_247 = arith.constant 96 : index
          %parallel_loop3A_248 = tpu.vector_load %arg15[%parallel_loop3A_246, %parallel_loop3A_247] {strides = array<i32>} : memref<64x128xf32, #tpu.memory_space<vmem>>, vector<1x16xf32>,
          %parallel_loop3A_249 = vector.shape_cast %parallel_loop3A_248 : vector<1x16xf32> to vector<16xf32>
          %parallel_loop3A_250 = arith.index_cast %parallel_loop3A_153 : i32 to index
          %parallel_loop3A_251 = arith.constant 96 : index
          %parallel_loop3A_252 = tpu.vector_load %arg16[%parallel_loop3A_250, %parallel_loop3A_251] {strides = array<i32>} : memref<64x128xf32, #tpu.memory_space<vmem>>, vector<1x16xf32>,
          %parallel_loop3A_253 = vector.shape_cast %parallel_loop3A_252 : vector<1x16xf32> to vector<16xf32>
          %parallel_loop3A_254 = arith.subf %parallel_loop3A_249, %parallel_loop3A_253 : vector<16xf32>
          %parallel_loop3A_255 = arith.mulf %parallel_loop3A_245, %parallel_loop3A_254 : vector<16xf32>
          %parallel_loop3A_256 = arith.addf %parallel_loop3A_241, %parallel_loop3A_255 : vector<16xf32>
          %parallel_loop3A_257 = arith.index_cast %parallel_loop3A_153 : i32 to index
          %parallel_loop3A_258 = arith.constant 112 : index
          %parallel_loop3A_259 = tpu.vector_load %arg14[%parallel_loop3A_257, %parallel_loop3A_258] {strides = array<i32>} : memref<64x128xf32, #tpu.memory_space<vmem>>, vector<1x16xf32>,
          %parallel_loop3A_260 = vector.shape_cast %parallel_loop3A_259 : vector<1x16xf32> to vector<16xf32>
          %parallel_loop3A_261 = arith.index_cast %parallel_loop3A_153 : i32 to index
          %parallel_loop3A_262 = arith.constant 112 : index
          %parallel_loop3A_263 = tpu.vector_load %arg15[%parallel_loop3A_261, %parallel_loop3A_262] {strides = array<i32>} : memref<64x128xf32, #tpu.memory_space<vmem>>, vector<1x16xf32>,
          %parallel_loop3A_264 = vector.shape_cast %parallel_loop3A_263 : vector<1x16xf32> to vector<16xf32>
          %parallel_loop3A_265 = arith.index_cast %parallel_loop3A_153 : i32 to index
          %parallel_loop3A_266 = arith.constant 112 : index
          %parallel_loop3A_267 = tpu.vector_load %arg16[%parallel_loop3A_265, %parallel_loop3A_266] {strides = array<i32>} : memref<64x128xf32, #tpu.memory_space<vmem>>, vector<1x16xf32>,
          %parallel_loop3A_268 = vector.shape_cast %parallel_loop3A_267 : vector<1x16xf32> to vector<16xf32>
          %parallel_loop3A_269 = arith.subf %parallel_loop3A_264, %parallel_loop3A_268 : vector<16xf32>
          %parallel_loop3A_270 = arith.mulf %parallel_loop3A_260, %parallel_loop3A_269 : vector<16xf32>
          %parallel_loop3A_271 = arith.addf %parallel_loop3A_256, %parallel_loop3A_270 : vector<16xf32>
          %parallel_loop3A_272 = arith.addf %parallel_loop3A_212, %parallel_loop3A_271 : vector<16xf32>
          %parallel_loop3A_273 = arith.constant 8 : i32
          %parallel_loop3A_274 = arith.addi %parallel_loop3A_153, %parallel_loop3A_273 : i32
          %parallel_loop3A_275 = arith.index_cast %parallel_loop3A_274 : i32 to index
          %parallel_loop3A_276 = arith.constant 0 : index
          %parallel_loop3A_277 = tpu.vector_load %arg14[%parallel_loop3A_275, %parallel_loop3A_276] {strides = array<i32>} : memref<64x128xf32, #tpu.memory_space<vmem>>, vector<1x16xf32>,
          %parallel_loop3A_278 = vector.shape_cast %parallel_loop3A_277 : vector<1x16xf32> to vector<16xf32>
          %parallel_loop3A_279 = arith.index_cast %parallel_loop3A_274 : i32 to index
          %parallel_loop3A_280 = arith.constant 0 : index
          %parallel_loop3A_281 = tpu.vector_load %arg15[%parallel_loop3A_279, %parallel_loop3A_280] {strides = array<i32>} : memref<64x128xf32, #tpu.memory_space<vmem>>, vector<1x16xf32>,
          %parallel_loop3A_282 = vector.shape_cast %parallel_loop3A_281 : vector<1x16xf32> to vector<16xf32>
          %parallel_loop3A_283 = arith.index_cast %parallel_loop3A_274 : i32 to index
          %parallel_loop3A_284 = arith.constant 0 : index
          %parallel_loop3A_285 = tpu.vector_load %arg16[%parallel_loop3A_283, %parallel_loop3A_284] {strides = array<i32>} : memref<64x128xf32, #tpu.memory_space<vmem>>, vector<1x16xf32>,
          %parallel_loop3A_286 = vector.shape_cast %parallel_loop3A_285 : vector<1x16xf32> to vector<16xf32>
          %parallel_loop3A_287 = arith.subf %parallel_loop3A_282, %parallel_loop3A_286 : vector<16xf32>
          %parallel_loop3A_288 = arith.mulf %parallel_loop3A_278, %parallel_loop3A_287 : vector<16xf32>
          %parallel_loop3A_289 = arith.index_cast %parallel_loop3A_274 : i32 to index
          %parallel_loop3A_290 = arith.constant 16 : index
          %parallel_loop3A_291 = tpu.vector_load %arg14[%parallel_loop3A_289, %parallel_loop3A_290] {strides = array<i32>} : memref<64x128xf32, #tpu.memory_space<vmem>>, vector<1x16xf32>,
          %parallel_loop3A_292 = vector.shape_cast %parallel_loop3A_291 : vector<1x16xf32> to vector<16xf32>
          %parallel_loop3A_293 = arith.index_cast %parallel_loop3A_274 : i32 to index
          %parallel_loop3A_294 = arith.constant 16 : index
          %parallel_loop3A_295 = tpu.vector_load %arg15[%parallel_loop3A_293, %parallel_loop3A_294] {strides = array<i32>} : memref<64x128xf32, #tpu.memory_space<vmem>>, vector<1x16xf32>,
          %parallel_loop3A_296 = vector.shape_cast %parallel_loop3A_295 : vector<1x16xf32> to vector<16xf32>
          %parallel_loop3A_297 = arith.index_cast %parallel_loop3A_274 : i32 to index
          %parallel_loop3A_298 = arith.constant 16 : index
          %parallel_loop3A_299 = tpu.vector_load %arg16[%parallel_loop3A_297, %parallel_loop3A_298] {strides = array<i32>} : memref<64x128xf32, #tpu.memory_space<vmem>>, vector<1x16xf32>,
          %parallel_loop3A_300 = vector.shape_cast %parallel_loop3A_299 : vector<1x16xf32> to vector<16xf32>
          %parallel_loop3A_301 = arith.subf %parallel_loop3A_296, %parallel_loop3A_300 : vector<16xf32>
          %parallel_loop3A_302 = arith.mulf %parallel_loop3A_292, %parallel_loop3A_301 : vector<16xf32>
          %parallel_loop3A_303 = arith.addf %parallel_loop3A_288, %parallel_loop3A_302 : vector<16xf32>
          %parallel_loop3A_304 = arith.index_cast %parallel_loop3A_274 : i32 to index
          %parallel_loop3A_305 = arith.constant 32 : index
          %parallel_loop3A_306 = tpu.vector_load %arg14[%parallel_loop3A_304, %parallel_loop3A_305] {strides = array<i32>} : memref<64x128xf32, #tpu.memory_space<vmem>>, vector<1x16xf32>,
          %parallel_loop3A_307 = vector.shape_cast %parallel_loop3A_306 : vector<1x16xf32> to vector<16xf32>
          %parallel_loop3A_308 = arith.index_cast %parallel_loop3A_274 : i32 to index
          %parallel_loop3A_309 = arith.constant 32 : index
          %parallel_loop3A_310 = tpu.vector_load %arg15[%parallel_loop3A_308, %parallel_loop3A_309] {strides = array<i32>} : memref<64x128xf32, #tpu.memory_space<vmem>>, vector<1x16xf32>,
          %parallel_loop3A_311 = vector.shape_cast %parallel_loop3A_310 : vector<1x16xf32> to vector<16xf32>
          %parallel_loop3A_312 = arith.index_cast %parallel_loop3A_274 : i32 to index
          %parallel_loop3A_313 = arith.constant 32 : index
          %parallel_loop3A_314 = tpu.vector_load %arg16[%parallel_loop3A_312, %parallel_loop3A_313] {strides = array<i32>} : memref<64x128xf32, #tpu.memory_space<vmem>>, vector<1x16xf32>,
          %parallel_loop3A_315 = vector.shape_cast %parallel_loop3A_314 : vector<1x16xf32> to vector<16xf32>
          %parallel_loop3A_316 = arith.subf %parallel_loop3A_311, %parallel_loop3A_315 : vector<16xf32>
          %parallel_loop3A_317 = arith.mulf %parallel_loop3A_307, %parallel_loop3A_316 : vector<16xf32>
          %parallel_loop3A_318 = arith.addf %parallel_loop3A_303, %parallel_loop3A_317 : vector<16xf32>
          %parallel_loop3A_319 = arith.index_cast %parallel_loop3A_274 : i32 to index
          %parallel_loop3A_320 = arith.constant 48 : index
          %parallel_loop3A_321 = tpu.vector_load %arg14[%parallel_loop3A_319, %parallel_loop3A_320] {strides = array<i32>} : memref<64x128xf32, #tpu.memory_space<vmem>>, vector<1x16xf32>,
          %parallel_loop3A_322 = vector.shape_cast %parallel_loop3A_321 : vector<1x16xf32> to vector<16xf32>
          %parallel_loop3A_323 = arith.index_cast %parallel_loop3A_274 : i32 to index
          %parallel_loop3A_324 = arith.constant 48 : index
          %parallel_loop3A_325 = tpu.vector_load %arg15[%parallel_loop3A_323, %parallel_loop3A_324] {strides = array<i32>} : memref<64x128xf32, #tpu.memory_space<vmem>>, vector<1x16xf32>,
          %parallel_loop3A_326 = vector.shape_cast %parallel_loop3A_325 : vector<1x16xf32> to vector<16xf32>
          %parallel_loop3A_327 = arith.index_cast %parallel_loop3A_274 : i32 to index
          %parallel_loop3A_328 = arith.constant 48 : index
          %parallel_loop3A_329 = tpu.vector_load %arg16[%parallel_loop3A_327, %parallel_loop3A_328] {strides = array<i32>} : memref<64x128xf32, #tpu.memory_space<vmem>>, vector<1x16xf32>,
          %parallel_loop3A_330 = vector.shape_cast %parallel_loop3A_329 : vector<1x16xf32> to vector<16xf32>
          %parallel_loop3A_331 = arith.subf %parallel_loop3A_326, %parallel_loop3A_330 : vector<16xf32>
          %parallel_loop3A_332 = arith.mulf %parallel_loop3A_322, %parallel_loop3A_331 : vector<16xf32>
          %parallel_loop3A_333 = arith.addf %parallel_loop3A_318, %parallel_loop3A_332 : vector<16xf32>
          %parallel_loop3A_334 = arith.index_cast %parallel_loop3A_274 : i32 to index
          %parallel_loop3A_335 = arith.constant 64 : index
          %parallel_loop3A_336 = tpu.vector_load %arg14[%parallel_loop3A_334, %parallel_loop3A_335] {strides = array<i32>} : memref<64x128xf32, #tpu.memory_space<vmem>>, vector<1x16xf32>,
          %parallel_loop3A_337 = vector.shape_cast %parallel_loop3A_336 : vector<1x16xf32> to vector<16xf32>
          %parallel_loop3A_338 = arith.index_cast %parallel_loop3A_274 : i32 to index
          %parallel_loop3A_339 = arith.constant 64 : index
          %parallel_loop3A_340 = tpu.vector_load %arg15[%parallel_loop3A_338, %parallel_loop3A_339] {strides = array<i32>} : memref<64x128xf32, #tpu.memory_space<vmem>>, vector<1x16xf32>,
          %parallel_loop3A_341 = vector.shape_cast %parallel_loop3A_340 : vector<1x16xf32> to vector<16xf32>
          %parallel_loop3A_342 = arith.index_cast %parallel_loop3A_274 : i32 to index
          %parallel_loop3A_343 = arith.constant 64 : index
          %parallel_loop3A_344 = tpu.vector_load %arg16[%parallel_loop3A_342, %parallel_loop3A_343] {strides = array<i32>} : memref<64x128xf32, #tpu.memory_space<vmem>>, vector<1x16xf32>,
          %parallel_loop3A_345 = vector.shape_cast %parallel_loop3A_344 : vector<1x16xf32> to vector<16xf32>
          %parallel_loop3A_346 = arith.subf %parallel_loop3A_341, %parallel_loop3A_345 : vector<16xf32>
          %parallel_loop3A_347 = arith.mulf %parallel_loop3A_337, %parallel_loop3A_346 : vector<16xf32>
          %parallel_loop3A_348 = arith.index_cast %parallel_loop3A_274 : i32 to index
          %parallel_loop3A_349 = arith.constant 80 : index
          %parallel_loop3A_350 = tpu.vector_load %arg14[%parallel_loop3A_348, %parallel_loop3A_349] {strides = array<i32>} : memref<64x128xf32, #tpu.memory_space<vmem>>, vector<1x16xf32>,
          %parallel_loop3A_351 = vector.shape_cast %parallel_loop3A_350 : vector<1x16xf32> to vector<16xf32>
          %parallel_loop3A_352 = arith.index_cast %parallel_loop3A_274 : i32 to index
          %parallel_loop3A_353 = arith.constant 80 : index
          %parallel_loop3A_354 = tpu.vector_load %arg15[%parallel_loop3A_352, %parallel_loop3A_353] {strides = array<i32>} : memref<64x128xf32, #tpu.memory_space<vmem>>, vector<1x16xf32>,
          %parallel_loop3A_355 = vector.shape_cast %parallel_loop3A_354 : vector<1x16xf32> to vector<16xf32>
          %parallel_loop3A_356 = arith.index_cast %parallel_loop3A_274 : i32 to index
          %parallel_loop3A_357 = arith.constant 80 : index
          %parallel_loop3A_358 = tpu.vector_load %arg16[%parallel_loop3A_356, %parallel_loop3A_357] {strides = array<i32>} : memref<64x128xf32, #tpu.memory_space<vmem>>, vector<1x16xf32>,
          %parallel_loop3A_359 = vector.shape_cast %parallel_loop3A_358 : vector<1x16xf32> to vector<16xf32>
          %parallel_loop3A_360 = arith.subf %parallel_loop3A_355, %parallel_loop3A_359 : vector<16xf32>
          %parallel_loop3A_361 = arith.mulf %parallel_loop3A_351, %parallel_loop3A_360 : vector<16xf32>
          %parallel_loop3A_362 = arith.addf %parallel_loop3A_347, %parallel_loop3A_361 : vector<16xf32>
          %parallel_loop3A_363 = arith.index_cast %parallel_loop3A_274 : i32 to index
          %parallel_loop3A_364 = arith.constant 96 : index
          %parallel_loop3A_365 = tpu.vector_load %arg14[%parallel_loop3A_363, %parallel_loop3A_364] {strides = array<i32>} : memref<64x128xf32, #tpu.memory_space<vmem>>, vector<1x16xf32>,
          %parallel_loop3A_366 = vector.shape_cast %parallel_loop3A_365 : vector<1x16xf32> to vector<16xf32>
          %parallel_loop3A_367 = arith.index_cast %parallel_loop3A_274 : i32 to index
          %parallel_loop3A_368 = arith.constant 96 : index
          %parallel_loop3A_369 = tpu.vector_load %arg15[%parallel_loop3A_367, %parallel_loop3A_368] {strides = array<i32>} : memref<64x128xf32, #tpu.memory_space<vmem>>, vector<1x16xf32>,
          %parallel_loop3A_370 = vector.shape_cast %parallel_loop3A_369 : vector<1x16xf32> to vector<16xf32>
          %parallel_loop3A_371 = arith.index_cast %parallel_loop3A_274 : i32 to index
          %parallel_loop3A_372 = arith.constant 96 : index
          %parallel_loop3A_373 = tpu.vector_load %arg16[%parallel_loop3A_371, %parallel_loop3A_372] {strides = array<i32>} : memref<64x128xf32, #tpu.memory_space<vmem>>, vector<1x16xf32>,
          %parallel_loop3A_374 = vector.shape_cast %parallel_loop3A_373 : vector<1x16xf32> to vector<16xf32>
          %parallel_loop3A_375 = arith.subf %parallel_loop3A_370, %parallel_loop3A_374 : vector<16xf32>
          %parallel_loop3A_376 = arith.mulf %parallel_loop3A_366, %parallel_loop3A_375 : vector<16xf32>
          %parallel_loop3A_377 = arith.addf %parallel_loop3A_362, %parallel_loop3A_376 : vector<16xf32>
          %parallel_loop3A_378 = arith.index_cast %parallel_loop3A_274 : i32 to index
          %parallel_loop3A_379 = arith.constant 112 : index
          %parallel_loop3A_380 = tpu.vector_load %arg14[%parallel_loop3A_378, %parallel_loop3A_379] {strides = array<i32>} : memref<64x128xf32, #tpu.memory_space<vmem>>, vector<1x16xf32>,
          %parallel_loop3A_381 = vector.shape_cast %parallel_loop3A_380 : vector<1x16xf32> to vector<16xf32>
          %parallel_loop3A_382 = arith.index_cast %parallel_loop3A_274 : i32 to index
          %parallel_loop3A_383 = arith.constant 112 : index
          %parallel_loop3A_384 = tpu.vector_load %arg15[%parallel_loop3A_382, %parallel_loop3A_383] {strides = array<i32>} : memref<64x128xf32, #tpu.memory_space<vmem>>, vector<1x16xf32>,
          %parallel_loop3A_385 = vector.shape_cast %parallel_loop3A_384 : vector<1x16xf32> to vector<16xf32>
          %parallel_loop3A_386 = arith.index_cast %parallel_loop3A_274 : i32 to index
          %parallel_loop3A_387 = arith.constant 112 : index
          %parallel_loop3A_388 = tpu.vector_load %arg16[%parallel_loop3A_386, %parallel_loop3A_387] {strides = array<i32>} : memref<64x128xf32, #tpu.memory_space<vmem>>, vector<1x16xf32>,
          %parallel_loop3A_389 = vector.shape_cast %parallel_loop3A_388 : vector<1x16xf32> to vector<16xf32>
          %parallel_loop3A_390 = arith.subf %parallel_loop3A_385, %parallel_loop3A_389 : vector<16xf32>
          %parallel_loop3A_391 = arith.mulf %parallel_loop3A_381, %parallel_loop3A_390 : vector<16xf32>
          %parallel_loop3A_392 = arith.addf %parallel_loop3A_377, %parallel_loop3A_391 : vector<16xf32>
          %parallel_loop3A_393 = arith.addf %parallel_loop3A_333, %parallel_loop3A_392 : vector<16xf32>
          %parallel_loop3A_394 = arith.constant 8 : i32
          %parallel_loop3A_395 = vector.broadcast %parallel_loop3A_394 : i32 to vector<16xi32>
          %parallel_loop3A_396 = arith.andi %iota3A, %parallel_loop3A_395 : vector<16xi32>
          %parallel_loop3A_397 = arith.constant 0 : i32
          %parallel_loop3A_398 = vector.broadcast %parallel_loop3A_397 : i32 to vector<16xi32>
          %parallel_loop3A_399 = arith.cmpi eq, %parallel_loop3A_396, %parallel_loop3A_398 : vector<16xi32>
          %parallel_loop3A_400 = arith.constant 8 : i32
          %parallel_loop3A_401 = vector.broadcast %parallel_loop3A_400 : i32 to vector<16xi32>
          %parallel_loop3A_402 = arith.xori %iota3A, %parallel_loop3A_401 : vector<16xi32>
          %parallel_loop3A_403 = vector.shape_cast %parallel_loop3A_402 : vector<16xi32> to vector<16x1xi32>
          %parallel_loop3A_404 = vector.shape_cast %parallel_loop3A_403 : vector<16x1xi32> to vector<16xi32>
          %parallel_loop3A_405 = tpu.dynamic_gather %parallel_loop3A_272[%parallel_loop3A_404] in [0] : vector<16xf32>, vector<16xi32> -> vector<16xf32>
          %parallel_loop3A_406 = arith.addf %parallel_loop3A_272, %parallel_loop3A_405 : vector<16xf32>
          %parallel_loop3A_407 = arith.constant 8 : i32
          %parallel_loop3A_408 = vector.broadcast %parallel_loop3A_407 : i32 to vector<16xi32>
          %parallel_loop3A_409 = arith.xori %iota3A, %parallel_loop3A_408 : vector<16xi32>
          %parallel_loop3A_410 = vector.shape_cast %parallel_loop3A_409 : vector<16xi32> to vector<16x1xi32>
          %parallel_loop3A_411 = vector.shape_cast %parallel_loop3A_410 : vector<16x1xi32> to vector<16xi32>
          %parallel_loop3A_412 = tpu.dynamic_gather %parallel_loop3A_393[%parallel_loop3A_411] in [0] : vector<16xf32>, vector<16xi32> -> vector<16xf32>
          %parallel_loop3A_413 = arith.addf %parallel_loop3A_393, %parallel_loop3A_412 : vector<16xf32>
          %parallel_loop3A_414 = arith.select %parallel_loop3A_399, %parallel_loop3A_406, %parallel_loop3A_413 : vector<16xi1>, vector<16xf32>
          %parallel_loop3A_415 = arith.constant 16 : i32
          %parallel_loop3A_416 = arith.muli %parallel_loop3A_98, %parallel_loop3A_415 : i32
          %parallel_loop3A_417 = arith.index_cast %parallel_loop3A_416 : i32 to index
          %parallel_loop3A_418 = tpu.vector_load %arg18[%parallel_loop3A_417] {strides = array<i32>} : memref<512xf32, #tpu.memory_space<vmem>>, vector<16xf32>,
          %parallel_loop3A_419 = vector.shape_cast %parallel_loop3A_418 : vector<16xf32> to vector<16xf32>
          %parallel_loop3A_420 = vector.shape_cast %parallel_loop3A_414 : vector<16xf32> to vector<16xf32>
          tpu.vector_store %arg18[%parallel_loop3A_417], %parallel_loop3A_420 {strides = array<i32>} : memref<512xf32, #tpu.memory_space<vmem>>, vector<16xf32>,
        } {sc.loop_unroll_factor = 2 : i64, sc.parallel_access}
        %scan3A_91 = arith.constant 0 : i32
        %scan3A_92 = arith.constant 0 : i32
        %scan3A_93 = arith.constant 4 : i32
        %scan3A_94 = arith.addi %scan3A_92, %scan3A_93 : i32
        %scan3A_95 = arith.constant 1 : i32
        %scan3A_96 = scf.for %scan3A_98 = %scan3A_92 to %scan3A_94 step %scan3A_95 iter_args(%scan3A_99 = %scan3A_91) -> (i32)  : i32 {
          %mul3A_100 = arith.constant 8 : i32
          %mul3A_101 = arith.muli %scan3A_98, %mul3A_100 : i32
          %add3A_102 = arith.constant 0 : i32
          %add3A_103 = arith.addi %mul3A_101, %add3A_102 : i32
          %mul3A_104 = arith.constant 16 : i32
          %mul3A_105 = arith.muli %add3A_103, %mul3A_104 : i32
          %get3A = arith.index_cast %mul3A_105 : i32 to index
          %get3A_106 = tpu.vector_load %arg18[%get3A] {strides = array<i32>} : memref<512xf32, #tpu.memory_space<vmem>>, vector<16xf32>,
          %get3A_107 = vector.shape_cast %get3A_106 : vector<16xf32> to vector<16xf32>
          %mul3A_108 = arith.constant 8 : i32
          %mul3A_109 = arith.muli %scan3A_98, %mul3A_108 : i32
          %add3A_110 = arith.constant 1 : i32
          %add3A_111 = arith.addi %mul3A_109, %add3A_110 : i32
          %mul3A_112 = arith.constant 16 : i32
          %mul3A_113 = arith.muli %add3A_111, %mul3A_112 : i32
          %get3A_114 = arith.index_cast %mul3A_113 : i32 to index
          %get3A_115 = tpu.vector_load %arg18[%get3A_114] {strides = array<i32>} : memref<512xf32, #tpu.memory_space<vmem>>, vector<16xf32>,
          %get3A_116 = vector.shape_cast %get3A_115 : vector<16xf32> to vector<16xf32>
          %mul3A_117 = arith.constant 8 : i32
          %mul3A_118 = arith.muli %scan3A_98, %mul3A_117 : i32
          %add3A_119 = arith.constant 2 : i32
          %add3A_120 = arith.addi %mul3A_118, %add3A_119 : i32
          %mul3A_121 = arith.constant 16 : i32
          %mul3A_122 = arith.muli %add3A_120, %mul3A_121 : i32
          %get3A_123 = arith.index_cast %mul3A_122 : i32 to index
          %get3A_124 = tpu.vector_load %arg18[%get3A_123] {strides = array<i32>} : memref<512xf32, #tpu.memory_space<vmem>>, vector<16xf32>,
          %get3A_125 = vector.shape_cast %get3A_124 : vector<16xf32> to vector<16xf32>
          %mul3A_126 = arith.constant 8 : i32
          %mul3A_127 = arith.muli %scan3A_98, %mul3A_126 : i32
          %add3A_128 = arith.constant 3 : i32
          %add3A_129 = arith.addi %mul3A_127, %add3A_128 : i32
          %mul3A_130 = arith.constant 16 : i32
          %mul3A_131 = arith.muli %add3A_129, %mul3A_130 : i32
          %get3A_132 = arith.index_cast %mul3A_131 : i32 to index
          %get3A_133 = tpu.vector_load %arg18[%get3A_132] {strides = array<i32>} : memref<512xf32, #tpu.memory_space<vmem>>, vector<16xf32>,
          %get3A_134 = vector.shape_cast %get3A_133 : vector<16xf32> to vector<16xf32>
          %mul3A_135 = arith.constant 8 : i32
          %mul3A_136 = arith.muli %scan3A_98, %mul3A_135 : i32
          %add3A_137 = arith.constant 4 : i32
          %add3A_138 = arith.addi %mul3A_136, %add3A_137 : i32
          %mul3A_139 = arith.constant 16 : i32
          %mul3A_140 = arith.muli %add3A_138, %mul3A_139 : i32
          %get3A_141 = arith.index_cast %mul3A_140 : i32 to index
          %get3A_142 = tpu.vector_load %arg18[%get3A_141] {strides = array<i32>} : memref<512xf32, #tpu.memory_space<vmem>>, vector<16xf32>,
          %get3A_143 = vector.shape_cast %get3A_142 : vector<16xf32> to vector<16xf32>
          %mul3A_144 = arith.constant 8 : i32
          %mul3A_145 = arith.muli %scan3A_98, %mul3A_144 : i32
          %add3A_146 = arith.constant 5 : i32
          %add3A_147 = arith.addi %mul3A_145, %add3A_146 : i32
          %mul3A_148 = arith.constant 16 : i32
          %mul3A_149 = arith.muli %add3A_147, %mul3A_148 : i32
          %get3A_150 = arith.index_cast %mul3A_149 : i32 to index
          %get3A_151 = tpu.vector_load %arg18[%get3A_150] {strides = array<i32>} : memref<512xf32, #tpu.memory_space<vmem>>, vector<16xf32>,
          %get3A_152 = vector.shape_cast %get3A_151 : vector<16xf32> to vector<16xf32>
          %mul3A_153 = arith.constant 8 : i32
          %mul3A_154 = arith.muli %scan3A_98, %mul3A_153 : i32
          %add3A_155 = arith.constant 6 : i32
          %add3A_156 = arith.addi %mul3A_154, %add3A_155 : i32
          %mul3A_157 = arith.constant 16 : i32
          %mul3A_158 = arith.muli %add3A_156, %mul3A_157 : i32
          %get3A_159 = arith.index_cast %mul3A_158 : i32 to index
          %get3A_160 = tpu.vector_load %arg18[%get3A_159] {strides = array<i32>} : memref<512xf32, #tpu.memory_space<vmem>>, vector<16xf32>,
          %get3A_161 = vector.shape_cast %get3A_160 : vector<16xf32> to vector<16xf32>
          %mul3A_162 = arith.constant 8 : i32
          %mul3A_163 = arith.muli %scan3A_98, %mul3A_162 : i32
          %add3A_164 = arith.constant 7 : i32
          %add3A_165 = arith.addi %mul3A_163, %add3A_164 : i32
          %mul3A_166 = arith.constant 16 : i32
          %mul3A_167 = arith.muli %add3A_165, %mul3A_166 : i32
          %get3A_168 = arith.index_cast %mul3A_167 : i32 to index
          %get3A_169 = tpu.vector_load %arg18[%get3A_168] {strides = array<i32>} : memref<512xf32, #tpu.memory_space<vmem>>, vector<16xf32>,
          %get3A_170 = vector.shape_cast %get3A_169 : vector<16xf32> to vector<16xf32>
          %and3A_171 = arith.constant 4 : i32
          %and3A_172 = vector.broadcast %and3A_171 : i32 to vector<16xi32>
          %and3A_173 = arith.andi %iota3A, %and3A_172 : vector<16xi32>
          %eq3A_174 = arith.constant 0 : i32
          %eq3A_175 = vector.broadcast %eq3A_174 : i32 to vector<16xi32>
          %eq3A_176 = arith.cmpi eq, %and3A_173, %eq3A_175 : vector<16xi32>
          %xor3A = arith.constant 4 : i32
          %xor3A_177 = vector.broadcast %xor3A : i32 to vector<16xi32>
          %xor3A_178 = arith.xori %iota3A, %xor3A_177 : vector<16xi32>
          %broadcast_in_dim3A = vector.shape_cast %xor3A_178 : vector<16xi32> to vector<16x1xi32>
          %gather3A = vector.shape_cast %broadcast_in_dim3A : vector<16x1xi32> to vector<16xi32>
          %gather3A_179 = tpu.dynamic_gather %get3A_107[%gather3A] in [0] : vector<16xf32>, vector<16xi32> -> vector<16xf32>
          %add3A_180 = arith.addf %get3A_107, %gather3A_179 : vector<16xf32>
          %xor3A_181 = arith.constant 4 : i32
          %xor3A_182 = vector.broadcast %xor3A_181 : i32 to vector<16xi32>
          %xor3A_183 = arith.xori %iota3A, %xor3A_182 : vector<16xi32>
          %broadcast_in_dim3A_184 = vector.shape_cast %xor3A_183 : vector<16xi32> to vector<16x1xi32>
          %gather3A_185 = vector.shape_cast %broadcast_in_dim3A_184 : vector<16x1xi32> to vector<16xi32>
          %gather3A_186 = tpu.dynamic_gather %get3A_116[%gather3A_185] in [0] : vector<16xf32>, vector<16xi32> -> vector<16xf32>
          %add3A_187 = arith.addf %get3A_116, %gather3A_186 : vector<16xf32>
          %select_n3A_188 = arith.select %eq3A_176, %add3A_180, %add3A_187 : vector<16xi1>, vector<16xf32>
          %and3A_189 = arith.constant 4 : i32
          %and3A_190 = vector.broadcast %and3A_189 : i32 to vector<16xi32>
          %and3A_191 = arith.andi %iota3A, %and3A_190 : vector<16xi32>
          %eq3A_192 = arith.constant 0 : i32
          %eq3A_193 = vector.broadcast %eq3A_192 : i32 to vector<16xi32>
          %eq3A_194 = arith.cmpi eq, %and3A_191, %eq3A_193 : vector<16xi32>
          %xor3A_195 = arith.constant 4 : i32
          %xor3A_196 = vector.broadcast %xor3A_195 : i32 to vector<16xi32>
          %xor3A_197 = arith.xori %iota3A, %xor3A_196 : vector<16xi32>
          %broadcast_in_dim3A_198 = vector.shape_cast %xor3A_197 : vector<16xi32> to vector<16x1xi32>
          %gather3A_199 = vector.shape_cast %broadcast_in_dim3A_198 : vector<16x1xi32> to vector<16xi32>
          %gather3A_200 = tpu.dynamic_gather %get3A_125[%gather3A_199] in [0] : vector<16xf32>, vector<16xi32> -> vector<16xf32>
          %add3A_201 = arith.addf %get3A_125, %gather3A_200 : vector<16xf32>
          %xor3A_202 = arith.constant 4 : i32
          %xor3A_203 = vector.broadcast %xor3A_202 : i32 to vector<16xi32>
          %xor3A_204 = arith.xori %iota3A, %xor3A_203 : vector<16xi32>
          %broadcast_in_dim3A_205 = vector.shape_cast %xor3A_204 : vector<16xi32> to vector<16x1xi32>
          %gather3A_206 = vector.shape_cast %broadcast_in_dim3A_205 : vector<16x1xi32> to vector<16xi32>
          %gather3A_207 = tpu.dynamic_gather %get3A_134[%gather3A_206] in [0] : vector<16xf32>, vector<16xi32> -> vector<16xf32>
          %add3A_208 = arith.addf %get3A_134, %gather3A_207 : vector<16xf32>
          %select_n3A_209 = arith.select %eq3A_194, %add3A_201, %add3A_208 : vector<16xi1>, vector<16xf32>
          %and3A_210 = arith.constant 4 : i32
          %and3A_211 = vector.broadcast %and3A_210 : i32 to vector<16xi32>
          %and3A_212 = arith.andi %iota3A, %and3A_211 : vector<16xi32>
          %eq3A_213 = arith.constant 0 : i32
          %eq3A_214 = vector.broadcast %eq3A_213 : i32 to vector<16xi32>
          %eq3A_215 = arith.cmpi eq, %and3A_212, %eq3A_214 : vector<16xi32>
          %xor3A_216 = arith.constant 4 : i32
          %xor3A_217 = vector.broadcast %xor3A_216 : i32 to vector<16xi32>
          %xor3A_218 = arith.xori %iota3A, %xor3A_217 : vector<16xi32>
          %broadcast_in_dim3A_219 = vector.shape_cast %xor3A_218 : vector<16xi32> to vector<16x1xi32>
          %gather3A_220 = vector.shape_cast %broadcast_in_dim3A_219 : vector<16x1xi32> to vector<16xi32>
          %gather3A_221 = tpu.dynamic_gather %get3A_143[%gather3A_220] in [0] : vector<16xf32>, vector<16xi32> -> vector<16xf32>
          %add3A_222 = arith.addf %get3A_143, %gather3A_221 : vector<16xf32>
          %xor3A_223 = arith.constant 4 : i32
          %xor3A_224 = vector.broadcast %xor3A_223 : i32 to vector<16xi32>
          %xor3A_225 = arith.xori %iota3A, %xor3A_224 : vector<16xi32>
          %broadcast_in_dim3A_226 = vector.shape_cast %xor3A_225 : vector<16xi32> to vector<16x1xi32>
          %gather3A_227 = vector.shape_cast %broadcast_in_dim3A_226 : vector<16x1xi32> to vector<16xi32>
          %gather3A_228 = tpu.dynamic_gather %get3A_152[%gather3A_227] in [0] : vector<16xf32>, vector<16xi32> -> vector<16xf32>
          %add3A_229 = arith.addf %get3A_152, %gather3A_228 : vector<16xf32>
          %select_n3A_230 = arith.select %eq3A_215, %add3A_222, %add3A_229 : vector<16xi1>, vector<16xf32>
          %and3A_231 = arith.constant 4 : i32
          %and3A_232 = vector.broadcast %and3A_231 : i32 to vector<16xi32>
          %and3A_233 = arith.andi %iota3A, %and3A_232 : vector<16xi32>
          %eq3A_234 = arith.constant 0 : i32
          %eq3A_235 = vector.broadcast %eq3A_234 : i32 to vector<16xi32>
          %eq3A_236 = arith.cmpi eq, %and3A_233, %eq3A_235 : vector<16xi32>
          %xor3A_237 = arith.constant 4 : i32
          %xor3A_238 = vector.broadcast %xor3A_237 : i32 to vector<16xi32>
          %xor3A_239 = arith.xori %iota3A, %xor3A_238 : vector<16xi32>
          %broadcast_in_dim3A_240 = vector.shape_cast %xor3A_239 : vector<16xi32> to vector<16x1xi32>
          %gather3A_241 = vector.shape_cast %broadcast_in_dim3A_240 : vector<16x1xi32> to vector<16xi32>
          %gather3A_242 = tpu.dynamic_gather %get3A_161[%gather3A_241] in [0] : vector<16xf32>, vector<16xi32> -> vector<16xf32>
          %add3A_243 = arith.addf %get3A_161, %gather3A_242 : vector<16xf32>
          %xor3A_244 = arith.constant 4 : i32
          %xor3A_245 = vector.broadcast %xor3A_244 : i32 to vector<16xi32>
          %xor3A_246 = arith.xori %iota3A, %xor3A_245 : vector<16xi32>
          %broadcast_in_dim3A_247 = vector.shape_cast %xor3A_246 : vector<16xi32> to vector<16x1xi32>
          %gather3A_248 = vector.shape_cast %broadcast_in_dim3A_247 : vector<16x1xi32> to vector<16xi32>
          %gather3A_249 = tpu.dynamic_gather %get3A_170[%gather3A_248] in [0] : vector<16xf32>, vector<16xi32> -> vector<16xf32>
          %add3A_250 = arith.addf %get3A_170, %gather3A_249 : vector<16xf32>
          %select_n3A_251 = arith.select %eq3A_236, %add3A_243, %add3A_250 : vector<16xi1>, vector<16xf32>
          %and3A_252 = arith.constant 2 : i32
          %and3A_253 = vector.broadcast %and3A_252 : i32 to vector<16xi32>
          %and3A_254 = arith.andi %iota3A, %and3A_253 : vector<16xi32>
          %eq3A_255 = arith.constant 0 : i32
          %eq3A_256 = vector.broadcast %eq3A_255 : i32 to vector<16xi32>
          %eq3A_257 = arith.cmpi eq, %and3A_254, %eq3A_256 : vector<16xi32>
          %xor3A_258 = arith.constant 2 : i32
          %xor3A_259 = vector.broadcast %xor3A_258 : i32 to vector<16xi32>
          %xor3A_260 = arith.xori %iota3A, %xor3A_259 : vector<16xi32>
          %broadcast_in_dim3A_261 = vector.shape_cast %xor3A_260 : vector<16xi32> to vector<16x1xi32>
          %gather3A_262 = vector.shape_cast %broadcast_in_dim3A_261 : vector<16x1xi32> to vector<16xi32>
          %gather3A_263 = tpu.dynamic_gather %select_n3A_188[%gather3A_262] in [0] : vector<16xf32>, vector<16xi32> -> vector<16xf32>
          %add3A_264 = arith.addf %select_n3A_188, %gather3A_263 : vector<16xf32>
          %xor3A_265 = arith.constant 2 : i32
          %xor3A_266 = vector.broadcast %xor3A_265 : i32 to vector<16xi32>
          %xor3A_267 = arith.xori %iota3A, %xor3A_266 : vector<16xi32>
          %broadcast_in_dim3A_268 = vector.shape_cast %xor3A_267 : vector<16xi32> to vector<16x1xi32>
          %gather3A_269 = vector.shape_cast %broadcast_in_dim3A_268 : vector<16x1xi32> to vector<16xi32>
          %gather3A_270 = tpu.dynamic_gather %select_n3A_209[%gather3A_269] in [0] : vector<16xf32>, vector<16xi32> -> vector<16xf32>
          %add3A_271 = arith.addf %select_n3A_209, %gather3A_270 : vector<16xf32>
          %select_n3A_272 = arith.select %eq3A_257, %add3A_264, %add3A_271 : vector<16xi1>, vector<16xf32>
          %and3A_273 = arith.constant 2 : i32
          %and3A_274 = vector.broadcast %and3A_273 : i32 to vector<16xi32>
          %and3A_275 = arith.andi %iota3A, %and3A_274 : vector<16xi32>
          %eq3A_276 = arith.constant 0 : i32
          %eq3A_277 = vector.broadcast %eq3A_276 : i32 to vector<16xi32>
          %eq3A_278 = arith.cmpi eq, %and3A_275, %eq3A_277 : vector<16xi32>
          %xor3A_279 = arith.constant 2 : i32
          %xor3A_280 = vector.broadcast %xor3A_279 : i32 to vector<16xi32>
          %xor3A_281 = arith.xori %iota3A, %xor3A_280 : vector<16xi32>
          %broadcast_in_dim3A_282 = vector.shape_cast %xor3A_281 : vector<16xi32> to vector<16x1xi32>
          %gather3A_283 = vector.shape_cast %broadcast_in_dim3A_282 : vector<16x1xi32> to vector<16xi32>
          %gather3A_284 = tpu.dynamic_gather %select_n3A_230[%gather3A_283] in [0] : vector<16xf32>, vector<16xi32> -> vector<16xf32>
          %add3A_285 = arith.addf %select_n3A_230, %gather3A_284 : vector<16xf32>
          %xor3A_286 = arith.constant 2 : i32
          %xor3A_287 = vector.broadcast %xor3A_286 : i32 to vector<16xi32>
          %xor3A_288 = arith.xori %iota3A, %xor3A_287 : vector<16xi32>
          %broadcast_in_dim3A_289 = vector.shape_cast %xor3A_288 : vector<16xi32> to vector<16x1xi32>
          %gather3A_290 = vector.shape_cast %broadcast_in_dim3A_289 : vector<16x1xi32> to vector<16xi32>
          %gather3A_291 = tpu.dynamic_gather %select_n3A_251[%gather3A_290] in [0] : vector<16xf32>, vector<16xi32> -> vector<16xf32>
          %add3A_292 = arith.addf %select_n3A_251, %gather3A_291 : vector<16xf32>
          %select_n3A_293 = arith.select %eq3A_278, %add3A_285, %add3A_292 : vector<16xi1>, vector<16xf32>
          %and3A_294 = arith.constant 1 : i32
          %and3A_295 = vector.broadcast %and3A_294 : i32 to vector<16xi32>
          %and3A_296 = arith.andi %iota3A, %and3A_295 : vector<16xi32>
          %eq3A_297 = arith.constant 0 : i32
          %eq3A_298 = vector.broadcast %eq3A_297 : i32 to vector<16xi32>
          %eq3A_299 = arith.cmpi eq, %and3A_296, %eq3A_298 : vector<16xi32>
          %xor3A_300 = arith.constant 1 : i32
          %xor3A_301 = vector.broadcast %xor3A_300 : i32 to vector<16xi32>
          %xor3A_302 = arith.xori %iota3A, %xor3A_301 : vector<16xi32>
          %broadcast_in_dim3A_303 = vector.shape_cast %xor3A_302 : vector<16xi32> to vector<16x1xi32>
          %gather3A_304 = vector.shape_cast %broadcast_in_dim3A_303 : vector<16x1xi32> to vector<16xi32>
          %gather3A_305 = tpu.dynamic_gather %select_n3A_272[%gather3A_304] in [0] : vector<16xf32>, vector<16xi32> -> vector<16xf32>
          %add3A_306 = arith.addf %select_n3A_272, %gather3A_305 : vector<16xf32>
          %xor3A_307 = arith.constant 1 : i32
          %xor3A_308 = vector.broadcast %xor3A_307 : i32 to vector<16xi32>
          %xor3A_309 = arith.xori %iota3A, %xor3A_308 : vector<16xi32>
          %broadcast_in_dim3A_310 = vector.shape_cast %xor3A_309 : vector<16xi32> to vector<16x1xi32>
          %gather3A_311 = vector.shape_cast %broadcast_in_dim3A_310 : vector<16x1xi32> to vector<16xi32>
          %gather3A_312 = tpu.dynamic_gather %select_n3A_293[%gather3A_311] in [0] : vector<16xf32>, vector<16xi32> -> vector<16xf32>
          %add3A_313 = arith.addf %select_n3A_293, %gather3A_312 : vector<16xf32>
          %select_n3A_314 = arith.select %eq3A_299, %add3A_306, %add3A_313 : vector<16xi1>, vector<16xf32>
          %mul3A_315 = arith.constant 64 : i32
          %mul3A_316 = arith.muli %scan3A_34, %mul3A_315 : i32
          %mul3A_317 = arith.constant 16 : i32
          %mul3A_318 = arith.muli %scan3A_98, %mul3A_317 : i32
          %add3A_319 = arith.addi %mul3A_316, %mul3A_318 : i32
          %swap3A = arith.index_cast %add3A_319 : i32 to index
          %swap3A_320 = tpu.vector_load %arg17[%swap3A] {strides = array<i32>} : memref<512xf32, #tpu.memory_space<vmem>>, vector<16xf32>,
          %swap3A_321 = vector.shape_cast %swap3A_320 : vector<16xf32> to vector<16xf32>
          %swap3A_322 = vector.shape_cast %select_n3A_314 : vector<16xf32> to vector<16xf32>
          tpu.vector_store %arg17[%swap3A], %swap3A_322 {strides = array<i32>} : memref<512xf32, #tpu.memory_space<vmem>>, vector<16xf32>,
          %scan3A_323 = arith.constant 0 : i32
          scf.yield %scan3A_323 : i32
        }
        %scan3A_97 = arith.constant 4 : i32
      } else {
      }
      %scan3A_70 = arith.constant 0 : i32
      scf.yield %scan3A_70 : i32
    }
    %scan3A_33 = arith.constant 8 : i32
    "tpu.region"() ({
      %run_scoped3A = tpu.sem_alloc : memref<!tpu.dma_semaphore, #tpu.memory_space<semaphore_mem>>
      %dma_start3A_34 = tpu.memref_slice %arg7[%mul3A_2] : memref<16384xf32, #tpu.memory_space<hbm>> -> memref<512xf32, #tpu.memory_space<hbm>>
      %dma_start3A_35 = tpu.memref_slice %arg7[%mul3A_2] : memref<16384xf32, #tpu.memory_space<hbm>> -> memref<512xf32, #tpu.memory_space<hbm>>
      tpu.enqueue_dma source(%arg17 : memref<512xf32, #tpu.memory_space<vmem>>) target(%dma_start3A_35 : memref<512xf32, #tpu.memory_space<hbm>>) target_semaphore(%run_scoped3A : memref<!tpu.dma_semaphore, #tpu.memory_space<semaphore_mem>>)
      %dma_wait3A_36 = tpu.memref_slice %arg7[%mul3A_2] : memref<16384xf32, #tpu.memory_space<hbm>> -> memref<512xf32, #tpu.memory_space<hbm>>
      %dma_wait3A_37 = tpu.memref_slice %arg7[%mul3A_2] : memref<16384xf32, #tpu.memory_space<hbm>> -> memref<512xf32, #tpu.memory_space<hbm>>
      tpu.wait_dma2 semaphore(%run_scoped3A : memref<!tpu.dma_semaphore, #tpu.memory_space<semaphore_mem>>) src(%arg17 : memref<512xf32, #tpu.memory_space<vmem>>) dst(%dma_wait3A_37 : memref<512xf32, #tpu.memory_space<hbm>>)
      tpu.yield
    }) : () -> ()
    return
  }
}

</mosaic_0001>

<sc_bundles>
// kernel: kernel.3.cloned.1.call-start
scs
__scs_entry_jumppad:
0x0: {  	(pc) =	sbr.rel $0x88, $3  }
0x1: {  	(tag) =	ssettag $0x0;
	lr =	simm.s32 $0x1  }
0x2: {  	[smem:$0x3F9C] =	sst lr;
	_ =	strace $0xD0000000  }
0x3: {  	_ = 	snop  }
0x4: {  	_ = 	snop  }
0x5: {  	_ = 	snop  }
0x6: {  	_ = 	snop  }
0x7: {  	_ = 	snop  }
__scs_overlays_trampoline_lowered:
0x8: {  	[smem:$0x3FAB] =	sst s0  }
0x9: {  	[smem:$0x3FAC] =	sst s1  }
0xa: {  	[smem:$0x3FAD] =	sst s2  }
0xb: {  	[smem:$0x3FAE] =	sst s3  }
0xc: {  	[smem:$0x3FAF] =	sst s4  }
0xd: {  	[smem:$0x3FB0] =	sst s5  }
0xe: {  	[smem:$0x3FB1] =	sst s6  }
0xf: {  	[smem:$0x3FB2] =	sst s7  }
0x10: {  	[smem:$0x3FB3] =	sst s8  }
0x11: {  	[smem:$0x3FB4] =	sst s9;
	s0 =	simm.s32 @!p0 $0x0  }
0x12: {  	s1 =	sld [smem:$0x3F9A];
	s0 =	simm.s32 @p0 $0x1  }
0x13: {  	[smem:$0x3FB5] =	sst s0;
	s0 =	simm.s32 @!p1 $0x0  }
0x14: {  	s2 =	sld [smem:$0x3F99];
	s0 =	simm.s32 @p1 $0x1  }
0x15: {  	[smem:$0x3FB6] =	sst s0;
	s0 =	simm.s32 @!p2 $0x0  }
0x16: {  	s3 =	sld [smem:$0x3FDB];
	s0 =	simm.s32 @p2 $0x1  }
0x17: {  	s4 =	simm.s32 $0x1BF5;
	[smem:$0x3FB8] =	sst s0  }
0x18: {  	s0 =	sld [smem:$0x3F9B];
	_ =	swait.ge [sflag:s4], $0x0  }
0x19: {  	s7 =	sld [smem:$0x3F9C]  }
0x1a: {  	s8 =	sadd.s32 $0xFFFFE003, lr  }
0x1b: {  	s9 =	sadd.s32 $0xFFFFFEF7, lr;
	s5 =	simm.s32 $0xFFFFFFFF;
	p2 =	slt.u32 s8, $0xFFFFF086  }
0x1c: {  	p1 =	slt.u32 s9, $0xF7A;
	s5 =	simm.s32 @!p2 $0x0  }
0x1d: {  	s5 =	simm.s32 @p1 $0x1;
	p0 =	seq.s32 s7, s2  }
0x1e: {  	s7 =	smul.u32 @!p0 $0xF7A, s2;
	p2 =	seq.s32 @!p0 s5, $0x0  }
0x1f: {  	s9 =	smul.u32 $0xF7A, s1;
	s8 =	simm.s32 @!p0 $0x1BF5;
	p2 =	por !p2, p0  }
0x20: {  	[sflag:s8] =	ssyncset.s32 @!p0 $0xFFFFF086;
	s6 =	sadd.s32 @!p0 s3, s7;
	s7 =	simm.s32 @!p0 $0x108  }
0x21: {  	s3 =	sadd.s32 s3, s9;
	s6 =	sadd.s32 @!p0 $0x88, s6;
	s7 =	simm.s32 @p2 $0x1082  }
0x22: {  	[simem:s7], [sflag:s8] =	dma.local @!p0 [hbm:s6], $0xF7A  }
0x23: {  	s9 =	sor.u32 $0xD0000000, s2;
	s6 =	simm.s32 $0x108;
	_ =	swait.ge @!p0 [sflag:s8], $0x0  }
0x24: {  	s3 =	sadd.s32 $0x88, s3;
	s6 =	simm.s32 @!p1 $0x1082;
	[sflag:s4] =	ssyncset.s32 $0xFFFFF086  }
0x25: {  	[simem:s6], [sflag:s4] =	dma.local [hbm:s3], $0xF7A  }
0x26: {  	[smem:$0x3F9C] =	sst s1;
	(tag) =	ssettag s2;
	_ =	strace s9  }
0x27: {  	s1 =	sld [smem:$0x3FAC]  }
0x28: {  	s2 =	sld [smem:$0x3FAD]  }
0x29: {  	s4 =	sld [smem:$0x3FAF]  }
0x2a: {  	p0 =	seq.s32 s5, $0x0;
	s5 =	sld [smem:$0x3FB0]  }
0x2b: {  	s6 =	sld [smem:$0x3FB1]  }
0x2c: {  	s7 =	sld [smem:$0x3FB2]  }
0x2d: {  	s3 =	simm.s32 $0x108;
	s8 =	sld [smem:$0x3FB3]  }
0x2e: {  	s3 =	simm.s32 @!p0 $0x1082;
	s9 =	sld [smem:$0x3FB4]  }
0x2f: {  	lr =	sadd.s32 s0, s3;
	s0 =	sld [smem:$0x3FAB]  }
0x30: {  	s3 =	sld [smem:$0x3FAE]  }
0x31: {  	[smem:$0x3FB7] =	sst s10  }
0x32: {  	s10 =	sld [smem:$0x3FB5];
	_ =	sdelay $0x3  }
0x33: {  	p0 =	seq.s32 s10, $0x1;
	s10 =	sld [smem:$0x3FB7];
	_ =	sdelay $0x3  }
0x34: {  	[smem:$0x3FB7] =	sst s10  }
0x35: {  	s10 =	sld [smem:$0x3FB6];
	_ =	sdelay $0x3  }
0x36: {  	p1 =	seq.s32 s10, $0x1;
	s10 =	sld [smem:$0x3FB7];
	_ =	sdelay $0x3  }
0x37: {  	[smem:$0x3FB7] =	sst s10  }
0x38: {  	s10 =	sld [smem:$0x3FB8]  }
0x39: {  	_ = 	snop;
	(pc) =	sbr.ind lr, $3  }
0x3a: {  	_ = 	snop  }
0x3b: {  	_ = 	snop  }
0x3c: {  	p2 =	seq.s32 s10, $0x1;
	s10 =	sld [smem:$0x3FB7]  }
0x3d: {  	_ =	shalt  }
0x3e: {  	_ =	shalt  }
0x3f: {  	_ =	shalt  }
0x40: {  	_ =	shalt  }
0x41: {  	_ =	shalt  }
0x42: {  	_ =	shalt  }
0x43: {  	_ =	shalt  }
0x44: {  	_ =	shalt  }
0x45: {  	_ =	shalt  }
0x46: {  	_ =	shalt  }
0x47: {  	_ =	shalt  }
0x48: {  	_ =	shalt  }
0x49: {  	_ =	shalt  }
0x4a: {  	_ =	shalt  }
0x4b: {  	_ =	shalt  }
0x4c: {  	_ =	shalt  }
0x4d: {  	_ =	shalt  }
0x4e: {  	_ =	shalt  }
0x4f: {  	_ =	shalt  }
0x50: {  	_ =	shalt  }
0x51: {  	_ =	shalt  }
0x52: {  	_ =	shalt  }
0x53: {  	_ =	shalt  }
0x54: {  	_ =	shalt  }
0x55: {  	_ =	shalt  }
0x56: {  	_ =	shalt  }
0x57: {  	_ =	shalt  }
0x58: {  	_ =	shalt  }
0x59: {  	_ =	shalt  }
0x5a: {  	_ =	shalt  }
0x5b: {  	_ =	shalt  }
0x5c: {  	_ =	shalt  }
0x5d: {  	_ =	shalt  }
0x5e: {  	_ =	shalt  }
0x5f: {  	_ =	shalt  }
0x60: {  	_ =	shalt  }
0x61: {  	_ =	shalt  }
0x62: {  	_ =	shalt  }
0x63: {  	_ =	shalt  }
0x64: {  	_ =	shalt  }
0x65: {  	_ =	shalt  }
0x66: {  	_ =	shalt  }
0x67: {  	_ =	shalt  }
0x68: {  	_ =	shalt  }
0x69: {  	_ =	shalt  }
0x6a: {  	_ =	shalt  }
0x6b: {  	_ =	shalt  }
0x6c: {  	_ =	shalt  }
0x6d: {  	_ =	shalt  }
0x6e: {  	_ =	shalt  }
0x6f: {  	_ =	shalt  }
0x70: {  	_ =	shalt  }
0x71: {  	_ =	shalt  }
0x72: {  	_ =	shalt  }
0x73: {  	_ =	shalt  }
0x74: {  	_ =	shalt  }
0x75: {  	_ =	shalt  }
0x76: {  	_ =	shalt  }
0x77: {  	_ =	shalt  }
0x78: {  	_ =	shalt  }
0x79: {  	_ =	shalt  }
0x7a: {  	_ =	shalt  }
0x7b: {  	_ =	shalt  }
0x7c: {  	_ =	shalt  }
0x7d: {  	_ =	shalt  }
0x7e: {  	_ =	shalt  }
0x7f: {  	_ =	shalt  }
0x80: {  	_ =	shalt  }
0x81: {  	_ =	shalt  }
0x82: {  	_ =	shalt  }
0x83: {  	_ =	shalt  }
0x84: {  	_ =	shalt  }
0x85: {  	_ =	shalt  }
0x86: {  	_ =	shalt  }
0x87: {  	_ =	shalt  }
.Lfunc_end0:
.L_simem_size_0:
called_computation_lowered:
.L_overlay_start_0:
0x88: {  	s2 =	sld [smem:$0x3FD9]  }
0x89: {  	s3 =	sld [smem:$0x3FFE];
	_ =	sdelay $0x1  }
0x8a: {  	s1 =	srdreg.scid  }
0x8b: {  	s0 =	sand.u32 $0x1, s1  }
0x8c: {  	s18 =	sshll.u32 s0, $0xA;
	s2 =	sadd.s32 s3, s2  }
0x8d: {  	s2 =	sadd.s32 s2, s18  }
0x8e: {  	[smem:$0x3FC3] =	sst s2  }
0x8f: {  	_ = 	snop  }
0x90: {  	s2 =	sld [smem:$0x3FC9]  }
0x91: {  	s19 =	sld [smem:$0x3FC8]  }
0x92: {  	s4 =	sld [smem:$0x3FC7]  }
0x93: {  	s5 =	sld [smem:$0x3FC6]  }
0x94: {  	s6 =	sld [smem:$0x3FC5]  }
0x95: {  	s7 =	sld [smem:$0x3FD0];
	(tm) =	ssettm $0x1  }
0x96: {  	s8 =	sld [smem:$0x3FFB];
	_ =	sdelay $0x3  }
0x97: {  	_ =	strace s8  }
0x98: {  	s8 =	sld [smem:$0x3FFC];
	_ =	sdelay $0x3  }
0x99: {  	_ =	strace s8  }
0x9a: {  	s8 =	sld [smem:$0x3FFD];
	_ =	sdelay $0x3  }
0x9b: {  	_ =	strace s8  }
0x9c: {  	_ =	strace $0x8FFFFFFF  }
0x9d: {  	s20 =	sld [smem:$0x3FDB];
	_ =	sdelay $0x1  }
0x9e: {  	s9 =	simm.s32 $_scs_section_size  }
0x9f: {  	s10 =	simm.s32 $_size__tile_overlayer_lowered;
	s11 =	simm.s32 $_tile_overlayer_lowered  }
0xa0: {  	s23 =	simm.s32 $0x1BFF;
	s22 =	sshll.u32 s11, $0x1;
	s8 =	sadd.s32 s9, s20  }
0xa1: {  	s12 =	simm.s32 $0x0;
	s21 =	sshll.u32 s10, $0x1;
	s10 =	sadd.s32 s22, s8  }
0xa2: {  	[timem:s12], [sflag:s23] =	dma.local [hbm:s10], s21  }
0xa3: {  	_ =	swait.ge [sflag:s23], s21  }
0xa4: {  	s9 =	ssub.s32 $0x0, s21;
	[sflag:s23] =	ssyncset.done $0x0  }
0xa5: {  	[sflag:s23] =	ssyncadd.s32 s9;
	_ =	sdelay $0x1  }
0xa6: {  	s24 =	simm.s32 $0x1B8B  }
0xa7: {  	_ =	swait.ge [sflag:s24], $0x1  }
0xa8: {  	[sflag:s24] =	ssyncset.done $0x0  }
0xa9: {  	s25 =	simm.s32 $0x1B8E;
	[sflag:s24] =	ssyncadd.s32 $0xFFFFFFFF  }
0xaa: {  	s26 =	simm.s32 $execute0_lowered;
	[smem:$0x3FD2] =	sst s25  }
0xab: {  	s9 =	sshll.u32 s26, $0x1;
	_ =	strace $0x80000046;
	[dreg:$0x1] =	wrdreg $0xFFFFFFFF  }
0xac: {  	s28 =	simm.s32 $_size_execute0_lowered;
	s8 =	sadd.s32 s8, s9;
	[dreg:$0x0] =	wrdreg $0x0  }
0xad: {  	s9 =	sshll.u32 s28, $0x1;
	[dreg:$0x2] =	wrdreg s8  }
0xae: {  	[dreg:$0x3] =	wrdreg s9  }
0xaf: {  	[dreg:$0x4] =	wrdreg $0xC0  }
0xb0: {  	_ =	task [dreg:s12], $0x5FFFF  }
0xb1: {  	[dreg:$0x1] =	wrdreg $0xFFFFFFFF  }
0xb2: {  	[dreg:$0x0] =	wrdreg $0x60  }
0xb3: {  	[dreg:$0x2] =	wrdreg s2  }
0xb4: {  	[dreg:$0x3] =	wrdreg s19  }
0xb5: {  	[dreg:$0x4] =	wrdreg s4  }
0xb6: {  	[dreg:$0x5] =	wrdreg s5  }
0xb7: {  	[dreg:$0x6] =	wrdreg s6  }
0xb8: {  	[dreg:$0x7] =	wrdreg s7  }
0xb9: {  	[dreg:$0x8] =	wrdreg $0x9  }
0xba: {  	_ =	task.clear_ibuf [dreg:s12], $0x9FFFF;
	_ =	strace $0x90000046  }
0xbb: {  	s29 =	simm.s32 $0x9;
	_ =	strace $0x80000048  }
0xbc: {  	_ =	swait.ge [sflag:s29], $0x1  }
0xbd: {  	[sflag:s29] =	ssyncadd.s32 $0xFFFFFFFF  }
0xbe: {  	_ =	strace $0x90000048  }
0xbf: {  	_ =	sfence  }
0xc0: {  	s30 =	sld [smem:$0x0];
	_ =	sdelay $0x2  }
0xc1: {  	s31 =	sshll.u32 s1, $0xD;
	s1 =	sshrl.u32 s1, $0x2  }
0xc2: {  	s3 =	sand.u32 $0x4000, s31;
	s1 =	sadd.s32 s1, s30  }
0xc3: {  	s0 =	sor.u32 s3, s0;
	s1 =	sshll.u32 s1, $0x11  }
0xc4: {  	s0 =	sor.u32 s1, s0  }
0xc5: {  	s0 =	sadd.s32 $0x8F2B, s0  }
0xc6: {  	[sflag:s0] =	ssyncadd.remote.s32 $0x1  }
0xc7: {  	_ =	sfence.sel $0xFFFF  }
0xc8: {  	[dreg:$0x0] =	wrdreg $0xFFFFFFFF;
	(pc) =	sbr.abs _section_cstart, $3  }
0xc9: {  	[dreg:$0x1] =	wrdreg $0xFFFFFFFF  }
0xca: {  	_ =	task.clear_ibuf [dreg:s12], $0x2FFFF;
	_ =	strace $0x9FFFFFFF  }
0xcb: {  	(tm) =	ssettm $0x7FFFFFFF  }
tec
execute0_lowered:
.L_overlay_start_1:
0x0: {  	(tag) =	ssettag $0x1  }
0x1: {  	v0 =	vimm.s32 $0x76543210;
	v1 =	vimm.s32 $0xFEDCBA98;
	v2 =	vimm.s32 $0xBA98FEDC  }
0x2: {  	v3 =	vimm.s32 $0x32107654;
	v4 =	vimm.s32 $0xDCFE98BA;
	v5 =	vimm.s32 $0x54761032  }
0x3: {  	vm0 =	vcmask $0x2F20;
	vm1 =	vcmask $0xF00;
	vm2 =	vcmask $0x1710  }
0x4: {  	vm3 =	vcmask $0x700;
	vm4 =	vcmask $0x300;
	v1 =	vunpack.c.l.s4.s8 v1  }
0x5: {  	s5 =	rddreg [dreg:$0x0];
	v0 =	vunpack.c.l.s4.s8 v0;
	v2 =	vunpack.c.l.s4.s8 v2;
	v3 =	vunpack.c.l.s4.s8 v3  }
0x6: {  	s6 =	rddreg [dreg:$0x1];
	v4 =	vunpack.c.l.s4.s8 v4;
	vm0 =	vmor vm1, vm0;
	v1 =	vunpack.c.0.s8.s32 v1  }
0x7: {  	s7 =	rddreg [dreg:$0x2];
	v0 =	vunpack.c.0.s8.s32 v0;
	v2 =	vunpack.c.0.s8.s32 v2;
	v3 =	vunpack.c.0.s8.s32 v3  }
0x8: {  	s0 =	rddreg [dreg:$0x3];
	vm1 =	vmor vm3, vm2;
	vm3 =	vcmask $0xB08;
	v1 =	vand.u32 $0xF, v1  }
0x9: {  	s1 =	rddreg [dreg:$0x4];
	v0 =	vcombine.low v1, v0;
	v1 =	vcombine.low v3, v2;
	v2 =	vunpack.c.l.s4.s8 v5  }
0xa: {  	s8 =	rddreg [dreg:$0x5];
	vm2 =	vcmask $0x2720;
	vm3 =	vmor vm4, vm3  }
0xb: {  	s3 =	simm.s32 $0x0;
	s9 =	srdreg.scid;
	s4 =	stileid.u32;
	vm4 =	vcmask $0x1310;
	v3 =	vunpack.c.0.s8.s32 v4;
	v2 =	vunpack.c.0.s8.s32 v2  }
0xc: {  	s13 =	simm.s32 $0x40;
	s14 =	simm.s32 $0x600;
	s15 =	simm.s32 $0x2600;
	vm1 =	vmor vm1, vm2;
	vm2 =	vcmask $0x3730;
	vm3 =	vmor vm3, vm4  }
0xd: {  	s16 =	simm.s32 $0x4600;
	s17 =	simm.s32 $0x2;
	s18 =	simm.s32 $0x3;
	v4 =	vimm.s32 $0x67452301;
	v2 =	vcombine.low v2, v3;
	v3 =	vimm.s32 $0xEFCDAB89  }
0xe: {  	s19 =	simm.s32 $0xC600;
	s20 =	simm.s32 $0x4;
	s21 =	simm.s32 $0x0;
	vm4 =	vcmask $0x1B18;
	v4 =	vunpack.c.l.s4.s8 v4;
	v3 =	vunpack.c.l.s4.s8 v3  }
0xf: {  	[smem:$0x7FF] =	sst s3;
	s9 =	sand.u32 $0x1, s9;
	s11 =	sshll.u32 s4, $0x7;
	vm1 =	vmor vm1, vm2;
	vm2 =	vmor vm3, vm4  }
.Ltmp0:
0x10: {  	s10 =	ssub.s32 $0x2, s9;
	s9 =	sshll.u32 s9, $0x6;
	vm3 =	vcmask $0x2320;
	v4 =	vunpack.c.0.s8.s32 v4;
	v3 =	vunpack.c.0.s8.s32 v3;
	(pc) =	sbr.rel .LBB2_1-.Ltmp0, $4  }
0x11: {  	_ =	strace $0x80000047;
	s12 =	sshrl.u32 s10, $0x1;
	s9 =	sor.u32 s9, s11;
	vm4 =	vcmask $0x2B28;
	vm3 =	vmor vm2, vm3;
	vm2 =	vmmov $0xff  }
0x12: {  	s11 =	simm.s32 $0x400;
	s10 =	ssub.s32 s10, s12;
	s5 =	sadd.s32 s5, s9;
	vm3 =	vmor vm3, vm4;
	vm4 =	vcmask $0x3330;
	v3 =	vcombine.low v4, v3  }
0x13: {  	s6 =	sadd.s32 s6, s9;
	s7 =	sadd.s32 s7, s9;
	s8 =	sadd.s32 s8, s9;
	vm3 =	vmor vm3, vm4;
	vm4 =	vcmask $0x3B38;
	v1 =	vand.u32 $0xF, v1  }
0x14: {  	s12 =	simm.s32 $0x1;
	s9 =	smax.u32 s10, $0x1;
	s10 =	simm.s32 $0x200;
	vm3 =	vmor vm3, vm4;
	v2 =	vand.u32 $0xF, v2;
	v3 =	vand.u32 $0xF, v3  }
.LBB2_15:
0x15: {  	s21 =	sadd.s32 $0x1, s21  }
0x16: {  	p0 =	sne.s32 s21, s9  }
.Ltmp1:
0x17: {  	_ = 	snop;
	(pc) =	sbr.rel @!p0 .LBB2_16-.Ltmp1, $4  }
0x18: {  	[hbm4b:s8+s3] =	stream.linear.scatter [tilespmem:s19], [sflag:$0x4], $0x200, $0x38;
	[tilespmem:$0xCA00] =	vst v63  }
0x19: {  	_ =	swait.ge [sflag:s20], $0x200  }
0x1a: {  	[sflag:s20] =	ssyncset.done $0x0  }
0x1b: {  	[sflag:s20] =	ssyncadd.s32 $0xFFFFFE00  }
.LBB2_1:
0x1c: {  	[tilespmem:s3], [sflag:$0x1] =	stream.linear.gather [hbm4b:s5+s3], $0x200, $0x38;
	[tilespmem:$0xCA00] =	vst v63  }
0x1d: {  	_ = 	snop  }
0x1e: {  	[tilespmem:s10], [sflag:$0x1] =	stream.linear.gather [hbm4b:s6+s3], $0x200, $0x38;
	[tilespmem:$0xCA00] =	vst v63  }
0x1f: {  	_ = 	snop  }
0x20: {  	[tilespmem:s11], [sflag:$0x1] =	stream.linear.gather [hbm4b:s7+s3], $0x200, $0x38;
	[tilespmem:$0xCA00] =	vst v63  }
0x21: {  	_ =	swait.ge [sflag:s12], $0x200  }
0x22: {  	[sflag:s12] =	ssyncset.done $0x0  }
0x23: {  	[sflag:s12] =	ssyncadd.s32 $0xFFFFFE00  }
0x24: {  	_ =	swait.ge [sflag:s12], $0x200  }
0x25: {  	[sflag:s12] =	ssyncset.done $0x0  }
0x26: {  	[sflag:s12] =	ssyncadd.s32 $0xFFFFFE00  }
0x27: {  	_ =	swait.ge [sflag:s12], $0x200  }
0x28: {  	[sflag:s12] =	ssyncset.done $0x0  }
0x29: {  	[sflag:s12] =	ssyncadd.s32 $0xFFFFFE00  }
0x2a: {  	[tilespmem:s14], [sflag:$0x2] =	stream.indirect.gather [hbm4b:s0+s13], $0x80, s3, s13, $0xb8;
	[tilespmem:$0xCA00] =	vst v63  }
.Ltmp2:
0x2b: {  	_ = 	snop;
	(pc) =	sbr.rel .LBB2_2-.Ltmp2, $4  }
0x2c: {  	_ = 	snop  }
0x2d: {  	[tilespmem:s15], [sflag:$0x2] =	stream.indirect.gather [hbm4b:s1+s13], $0x80, s10, s13, $0xb8;
	[tilespmem:$0xCA00] =	vst v63  }
0x2e: {  	s22 =	simm.s32 $0xC600;
	s23 =	simm.s32 $0x0  }
0x2f: {  	[tilespmem:s16], [sflag:$0x2] =	stream.indirect.gather [hbm4b:s1+s13], $0x80, s11, s13, $0xb8;
	[tilespmem:$0xCA00] =	vst v63  }
.LBB2_14:
0x30: {  	p0 =	sne.s32 s23, $0x8  }
.Ltmp3:
0x31: {  	_ = 	snop;
	(pc) =	sbr.rel @!p0 .LBB2_15-.Ltmp3, $2  }
0x32: {  	_ =	sdelay $0x2  }
0x33: {  	s22 =	sadd.s32 $0x40, s22  }
.LBB2_2:
0x34: {  	s25 =	sand.u32 $0x1, s23  }
0x35: {  	s24 =	smov.u32 s23;
	s23 =	sadd.s32 $0x1, s23;
	p0 =	seq.s32 s25, $0x1  }
0x36: {  	s26 =	sshll.u32 @!p0 s23, $0x6;
	s28 =	simm.s32 @!p0 $0x40;
	s29 =	simm.s32 @!p0 $0x6600  }
0x37: {  	[tilespmem:s29], [sflag:$0x3] =	stream.indirect.gather @!p0 [hbm4b:s0+s28], $0x80, s26, s28, $0xb8;
	[tilespmem:$0xCA00] =	vst v63  }
0x38: {  	p1 =	seq.s32 s24, $0x7;
	s30 =	simm.s32 @!p0 $0x8600;
	s29 =	sadd.s32 @!p0 $0x200, s26  }
0x39: {  	[tilespmem:s30], [sflag:$0x3] =	stream.indirect.gather @!p0 [hbm4b:s1+s28], $0x80, s29, s28, $0xb8;
	[tilespmem:$0xCA00] =	vst v63  }
0x3a: {  	p1 =	por !p0, p1;
	s26 =	sadd.s32 @!p0 $0x400, s26;
	s29 =	simm.s32 @!p0 $0xA600  }
0x3b: {  	[tilespmem:s29], [sflag:$0x3] =	stream.indirect.gather @!p0 [hbm4b:s1+s28], $0x80, s26, s28, $0xb8;
	[tilespmem:$0xCA00] =	vst v63  }
0x3c: {  	s24 =	sshll.u32 @!p1 s23, $0x6;
	s26 =	simm.s32 @!p1 $0x40;
	s28 =	simm.s32 @!p1 $0x600  }
0x3d: {  	[tilespmem:s28], [sflag:$0x2] =	stream.indirect.gather @!p1 [hbm4b:s0+s26], $0x80, s24, s26, $0xb8;
	[tilespmem:$0xCA00] =	vst v63  }
0x3e: {  	s29 =	simm.s32 @!p1 $0x2600;
	s28 =	sadd.s32 @!p1 $0x200, s24  }
0x3f: {  	[tilespmem:s29], [sflag:$0x2] =	stream.indirect.gather @!p1 [hbm4b:s1+s26], $0x80, s28, s26, $0xb8;
	[tilespmem:$0xCA00] =	vst v63  }
0x40: {  	s24 =	sadd.s32 @!p1 $0x400, s24;
	s28 =	simm.s32 @!p1 $0x4600  }
0x41: {  	[tilespmem:s28], [sflag:$0x2] =	stream.indirect.gather @!p1 [hbm4b:s1+s26], $0x80, s24, s26, $0xb8;
	[tilespmem:$0xCA00] =	vst v63  }
0x42: {  	p1 =	sne.s32 s25, $0x0  }
.Ltmp4:
0x43: {  	_ = 	snop;
	(pc) =	sbr.rel @p1 .LBB2_8-.Ltmp4, $1  }
0x44: {  	_ =	sdelay $0x3  }
0x45: {  	_ =	swait.ge [sflag:s17], $0x2000  }
0x46: {  	[sflag:s17] =	ssyncset.done $0x0  }
0x47: {  	[sflag:s17] =	ssyncadd.s32 $0xFFFFE000  }
0x48: {  	s25 =	simm.s32 $0x0;
	_ =	swait.ge [sflag:s17], $0x2000  }
0x49: {  	s26 =	simm.s32 $0x0;
	s24 =	simm.s32 $0x0;
	[sflag:s17] =	ssyncset.done $0x0  }
0x4a: {  	s28 =	sand.u32 $0x2, s25;
	s26 =	sand.u32 $0x1, s26;
	[sflag:s17] =	ssyncadd.s32 $0xFFFFE000  }
0x4b: {  	s26 =	sor.u32 s28, s26;
	s28 =	sand.u32 $0x30, s24;
	_ =	swait.ge [sflag:s17], $0x2000  }
0x4c: {  	s26 =	sor.u32 s28, s26;
	[sflag:s17] =	ssyncset.done $0x0  }
0x4d: {  	s26 =	sshll.u32 s26, $0x7;
	[sflag:s17] =	ssyncadd.s32 $0xFFFFE000  }
0x4e: {  	v4 =	vld [tilespmem:s26+$0x830]  }
0x4f: {  	v5 =	vld [tilespmem:s26+$0x870]  }
0x50: {  	v6 =	vld [tilespmem:s26+$0x820]  }
0x51: {  	v7 =	vld [tilespmem:s26+$0x2830]  }
0x52: {  	v8 =	vld [tilespmem:s26+$0x4830]  }
0x53: {  	v9 =	vld [tilespmem:s26+$0x860]  }
0x54: {  	v10 =	vld [tilespmem:s26+$0x2870]  }
0x55: {  	v11 =	vld [tilespmem:s26+$0x4870]  }
0x56: {  	v12 =	vld [tilespmem:s26+$0x2C30]  }
0x57: {  	v13 =	vld [tilespmem:s26+$0x4C30]  }
0x58: {  	v14 =	vld [tilespmem:s26+$0x2C70]  }
0x59: {  	v15 =	vld [tilespmem:s26+$0x4C70]  }
0x5a: {  	v16 =	vld [tilespmem:s26+$0x800]  }
0x5b: {  	v17 =	vld [tilespmem:s26+$0x810]  }
0x5c: {  	v18 =	vld [tilespmem:s26+$0x2820]  }
0x5d: {  	v19 =	vld [tilespmem:s26+$0x4820]  }
0x5e: {  	v20 =	vld [tilespmem:s26+$0x840]  }
0x5f: {  	v21 =	vld [tilespmem:s26+$0x850]  }
0x60: {  	v22 =	vld [tilespmem:s26+$0x2860]  }
0x61: {  	v23 =	vld [tilespmem:s26+$0x4860]  }
0x62: {  	v24 =	vld [tilespmem:s26+$0xC00]  }
0x63: {  	v25 =	vld [tilespmem:s26+$0xC10]  }
0x64: {  	v26 =	vld [tilespmem:s26+$0x2C20]  }
0x65: {  	v27 =	vld [tilespmem:s26+$0x4C20]  }
0x66: {  	v28 =	vld [tilespmem:s26+$0xC40]  }
0x67: {  	v29 =	vld [tilespmem:s26+$0xC50]  }
0x68: {  	v30 =	vld [tilespmem:s26+$0x2800]  }
0x69: {  	v31 =	vld [tilespmem:s26+$0x4800]  }
0x6a: {  	v32 =	vld [tilespmem:s26+$0x2810]  }
0x6b: {  	v33 =	vld [tilespmem:s26+$0x4810]  }
0x6c: {  	v34 =	vld [tilespmem:s26+$0x2840]  }
0x6d: {  	v35 =	vld [tilespmem:s26+$0x4840]  }
0x6e: {  	v36 =	vld [tilespmem:s26+$0x2850]  }
0x6f: {  	v37 =	vld [tilespmem:s26+$0x4850]  }
0x70: {  	v38 =	vld [tilespmem:s26+$0x2C00]  }
0x71: {  	v39 =	vld [tilespmem:s26+$0x4C00]  }
0x72: {  	v40 =	vld [tilespmem:s26+$0x2C10]  }
0x73: {  	v41 =	vld [tilespmem:s26+$0x4C10]  }
0x74: {  	v42 =	vld [tilespmem:s26+$0x2C40]  }
0x75: {  	v43 =	vld [tilespmem:s26+$0x4C40]  }
0x76: {  	v44 =	vld [tilespmem:s26+$0x2C50]  }
0x77: {  	v45 =	vld [tilespmem:s26+$0x4C50]  }
0x78: {  	v46 =	vld [tilespmem:s26+$0x2C60]  }
0x79: {  	v47 =	vld [tilespmem:s26+$0x4C60]  }
0x7a: {  	v48 =	vld [tilespmem:s26+$0xC20]  }
0x7b: {  	v49 =	vld [tilespmem:s26+$0xC60]  }
0x7c: {  	v50 =	vld [tilespmem:s26+$0xC30]  }
0x7d: {  	v51 =	vld [tilespmem:s26+$0xC70]  }
0x7e: {  	v52 =	vld [tilespmem:s26+$0x2600]  }
0x7f: {  	v53 =	vld [tilespmem:s26+$0x4600]  }
0x80: {  	v54 =	vld [tilespmem:s26+$0x2610]  }
0x81: {  	v55 =	vld [tilespmem:s26+$0x4610]  }
0x82: {  	v56 =	vld [tilespmem:s26+$0x2640]  }
0x83: {  	v57 =	vld [tilespmem:s26+$0x4640]  }
0x84: {  	v58 =	vld [tilespmem:s26+$0x2650]  }
0x85: {  	v59 =	vld [tilespmem:s26+$0x4650]  }
0x86: {  	v60 =	vld [tilespmem:s26+$0x2A00]  }
0x87: {  	v61 =	vld [tilespmem:s26+$0x4A00]  }
0x88: {  	v62 =	vld [tilespmem:s26+$0x4A40]  }
0x89: {  	v7 =	vsub.f32 v7, v8;
	v8 =	vsub.f32 v10, v11;
	v10 =	vld [tilespmem:s26+$0x2A10]  }
0x8a: {  	v11 =	vsub.f32 v12, v13;
	v12 =	vsub.f32 v14, v15;
	v13 =	vld [tilespmem:s26+$0x4A10]  }
0x8b: {  	v14 =	vsub.f32 v18, v19;
	v15 =	vsub.f32 v22, v23;
	v18 =	vld [tilespmem:s26+$0x2A40]  }
0x8c: {  	v19 =	vsub.f32 v30, v31;
	v36 =	vsub.f32 v36, v37;
	v37 =	vld [tilespmem:s26+$0x2A50]  }
0x8d: {  	v22 =	vsub.f32 v32, v33;
	v56 =	vsub.f32 v56, v57;
	v57 =	vld [tilespmem:s26+$0x4A60]  }
0x8e: {  	v63 =	vsub.f32 v34, v35;
	v60 =	vsub.f32 v60, v61;
	v61 =	vld [tilespmem:s26+$0x2630];
	v4 =	vmul.f32 v7, v4  }
0x8f: {  	v5 =	vmul.f32 v8, v5;
	v7 =	vsub.f32 v38, v39;
	v8 =	vld [tilespmem:s26+$0x4A50];
	v6 =	vmul.f32 v14, v6  }
0x90: {  	v9 =	vmul.f32 v15, v9;
	v14 =	vsub.f32 v40, v41;
	v15 =	vld [tilespmem:s26+$0x600];
	v16 =	vmul.f32 v19, v16  }
0x91: {  	v17 =	vmul.f32 v22, v17;
	v19 =	vsub.f32 v42, v43;
	v39 =	vld [tilespmem:s26+$0x610];
	v20 =	vmul.f32 v63, v20  }
0x92: {  	v21 =	vmul.f32 v36, v21;
	v40 =	vsub.f32 v44, v45;
	v41 =	vld [tilespmem:s26+$0x2620];
	v42 =	vsub.f32 v26, v27  }
0x93: {  	v43 =	vld [tilespmem:s26+$0x4620];
	v45 =	vsub.f32 v46, v47;
	v7 =	vmul.f32 v7, v24;
	v14 =	vmul.f32 v14, v25  }
0x94: {  	v46 =	vld [tilespmem:s26+$0x640];
	v19 =	vmul.f32 v19, v28;
	v44 =	vmul.f32 v40, v29;
	v16 =	vadd.f32 v17, v16  }
0x95: {  	v63 =	vld [tilespmem:s26+$0x660];
	v17 =	vadd.f32 v21, v20;
	v47 =	vmul.f32 v42, v48;
	v18 =	vsub.f32 v18, v62  }
0x96: {  	v48 =	vld [tilespmem:s26+$0x650];
	v7 =	vadd.f32 v14, v7;
	v14 =	vadd.f32 v44, v19;
	v19 =	vmul.f32 v45, v49  }
0x97: {  	v11 =	vmul.f32 v11, v50;
	v62 =	vld [tilespmem:s26+$0x4630];
	v6 =	vadd.f32 v6, v16;
	v9 =	vadd.f32 v9, v17  }
0x98: {  	v12 =	vmul.f32 v12, v51;
	v49 =	vld [tilespmem:s26+$0x2660];
	v7 =	vadd.f32 v47, v7;
	v14 =	vadd.f32 v19, v14  }
0x99: {  	v16 =	vld [tilespmem:s26+$0x4660];
	v4 =	vadd.f32 v4, v6;
	v5 =	vadd.f32 v5, v9  }
0x9a: {  	v17 =	vld [tilespmem:s26+$0xA00];
	v7 =	vadd.f32 v11, v7;
	v9 =	vadd.f32 v12, v14  }
0x9b: {  	v6 =	vld [tilespmem:s26+$0xA10];
	v4 =	vadd.f32 v5, v4  }
0x9c: {  	v19 =	vld [tilespmem:s26+$0x4A20];
	v5 =	vadd.f32 v9, v7  }
0x9d: {  	v10 =	vsub.f32 v10, v13;
	v14 =	vld [tilespmem:s26+$0xA50];
	v9 =	vperm.xlane v4, v0  }
0x9e: {  	v11 =	vsub.f32 v52, v53;
	v53 =	vsub.f32 v54, v55;
	v7 =	vld [tilespmem:s26+$0xA40];
	v54 =	vperm.xlane v5, v0  }
0x9f: {  	v9 =	vadd.f32 v9, v4;
	v4 =	vsub.f32 v58, v59;
	v59 =	vld [tilespmem:s26+$0x620]  }
0xa0: {  	v12 =	vld [tilespmem:s26+$0x2A20];
	v26 =	vadd.f32 v5, v54;
	v5 =	vmul.f32 v11, v15;
	v11 =	vmul.f32 v53, v39  }
0xa1: {  	v8 =	vsub.f32 v37, v8;
	v13 =	vmul.f32 v56, v46;
	v55 =	vld [tilespmem:s26+$0x2A60];
	v4 =	vmul.f32 v4, v48  }
0xa2: {  	v6 =	vmul.f32 v10, v6;
	v15 =	vsub.f32 v41, v43;
	v22 =	vadd.f32 v11, v5;
	v11 =	vld [tilespmem:s26+$0x2670]  }
0xa3: {  	v10 =	vmul.f32 v8, v14;
	v5 =	vadd.f32 v4, v13;
	v4 =	vmul.f32 v60, v17;
	v13 =	vld [tilespmem:s26+$0x4670]  }
0xa4: {  	v16 =	vsub.f32 v49, v16;
	v14 =	vld [tilespmem:s26+$0xA20];
	v7 =	vmul.f32 v18, v7;
	v17 =	vmul.f32 v15, v59  }
0xa5: {  	v8 =	vsub.f32 v12, v19;
	v12 =	vld [tilespmem:s26+$0x2A30];
	v18 =	vsel vm2, v9, v26;
	v4 =	vadd.f32 v6, v4  }
0xa6: {  	s29 =	simm.s32 $0xC810;
	v15 =	vld [tilespmem:s26+$0x4A30];
	v6 =	vadd.f32 v10, v7;
	v7 =	vadd.f32 v17, v22;
	v17 =	vmul.f32 v16, v63  }
0xa7: {  	s30 =	simm.s32 $0x0;
	s28 =	simm.s32 $0xC840;
	v9 =	vsub.f32 v55, v57;
	[tilespmem:s29+$0x0] =	vst v18;
	v10 =	vsub.f32 v61, v62;
	v16 =	vld [tilespmem:s26+$0xA60]  }
.LBB2_4:
0xa8: {  	s25 =	sadd.s32 $0x2, s25;
	v5 =	vadd.f32 v17, v5;
	v11 =	vsub.f32 v11, v13;
	v13 =	vld [tilespmem:s26+$0x2A70]  }
0xa9: {  	s31 =	sshrl.u32 s25, $0x2;
	p1 =	slt.u32 s25, $0x1E;
	v8 =	vmul.f32 v8, v14;
	v14 =	vld [tilespmem:s26+$0x4A70]  }
0xaa: {  	s30 =	sadd.s32 $0x4, s30;
	s2 =	sand.u32 $0x2, s25;
	s31 =	sand.u32 $0x1, s31;
	v17 =	vld [tilespmem:s26+$0x630]  }
0xab: {  	s2 =	sor.u32 s2, s31;
	s31 =	sand.u32 $0x30, s30;
	v18 =	vld [tilespmem:s26+$0x670];
	v4 =	vadd.f32 v8, v4;
	v8 =	vsub.f32 v12, v15  }
0xac: {  	s2 =	sor.u32 s31, s2;
	v12 =	vld [tilespmem:s26+$0xA30];
	v9 =	vmul.f32 v9, v16  }
0xad: {  	v15 =	vld [tilespmem:s26+$0xA70];
	s26 =	sshll.u32 s2, $0x7  }
0xae: {  	v16 =	vld [tilespmem:s26+$0x830];
	v6 =	vadd.f32 v9, v6;
	v9 =	vsub.f32 v13, v14  }
0xaf: {  	v13 =	vld [tilespmem:s26+$0x870];
	v10 =	vmul.f32 v10, v17  }
0xb0: {  	v14 =	vld [tilespmem:s26+$0x820];
	v11 =	vmul.f32 v11, v18  }
0xb1: {  	v17 =	vld [tilespmem:s26+$0x2830];
	v7 =	vadd.f32 v10, v7;
	v8 =	vmul.f32 v8, v12  }
0xb2: {  	v10 =	vld [tilespmem:s26+$0x4830];
	v5 =	vadd.f32 v11, v5;
	v9 =	vmul.f32 v9, v15  }
0xb3: {  	v11 =	vld [tilespmem:s26+$0x860];
	v4 =	vadd.f32 v8, v4  }
0xb4: {  	v8 =	vld [tilespmem:s26+$0x2870];
	v5 =	vadd.f32 v5, v7;
	v6 =	vadd.f32 v9, v6  }
0xb5: {  	v7 =	vld [tilespmem:s26+$0x4870]  }
0xb6: {  	v9 =	vld [tilespmem:s26+$0x2C30];
	v4 =	vadd.f32 v6, v4;
	v6 =	vperm.xlane v5, v0  }
0xb7: {  	v12 =	vld [tilespmem:s26+$0x4C30]  }
0xb8: {  	v15 =	vld [tilespmem:s26+$0x2C70];
	v5 =	vadd.f32 v6, v5;
	v6 =	vperm.xlane v4, v0  }
0xb9: {  	v18 =	vld [tilespmem:s26+$0x4C70]  }
0xba: {  	v19 =	vld [tilespmem:s26+$0x800];
	v4 =	vadd.f32 v4, v6  }
0xbb: {  	v6 =	vld [tilespmem:s26+$0x810]  }
0xbc: {  	v20 =	vld [tilespmem:s26+$0x2820];
	v4 =	vsel vm2, v5, v4  }
0xbd: {  	v5 =	vld [tilespmem:s26+$0x4820];
	[tilespmem:s29+$0xFFFFFFF0] =	vst v4  }
0xbe: {  	v4 =	vld [tilespmem:s26+$0x840]  }
0xbf: {  	v21 =	vld [tilespmem:s26+$0x850]  }
0xc0: {  	v22 =	vld [tilespmem:s26+$0x2860]  }
0xc1: {  	v23 =	vld [tilespmem:s26+$0x4860]  }
0xc2: {  	v24 =	vld [tilespmem:s26+$0xC00]  }
0xc3: {  	v25 =	vld [tilespmem:s26+$0xC10]  }
0xc4: {  	v26 =	vld [tilespmem:s26+$0x2C20]  }
0xc5: {  	v27 =	vld [tilespmem:s26+$0x4C20]  }
0xc6: {  	v28 =	vld [tilespmem:s26+$0xC40]  }
0xc7: {  	v29 =	vld [tilespmem:s26+$0xC50]  }
0xc8: {  	v30 =	vld [tilespmem:s26+$0x2800]  }
0xc9: {  	v31 =	vld [tilespmem:s26+$0x4800]  }
0xca: {  	v32 =	vld [tilespmem:s26+$0x2810]  }
0xcb: {  	v33 =	vld [tilespmem:s26+$0x4810]  }
0xcc: {  	v34 =	vld [tilespmem:s26+$0x2840]  }
0xcd: {  	v35 =	vld [tilespmem:s26+$0x4840]  }
0xce: {  	v36 =	vld [tilespmem:s26+$0x2850]  }
0xcf: {  	v37 =	vld [tilespmem:s26+$0x4850]  }
0xd0: {  	v38 =	vld [tilespmem:s26+$0x2C00]  }
0xd1: {  	v39 =	vld [tilespmem:s26+$0x4C00]  }
0xd2: {  	v40 =	vld [tilespmem:s26+$0x2C10]  }
0xd3: {  	v41 =	vld [tilespmem:s26+$0x4C10]  }
0xd4: {  	v10 =	vsub.f32 v17, v10;
	v7 =	vsub.f32 v8, v7;
	v8 =	vld [tilespmem:s26+$0x2C40]  }
0xd5: {  	v9 =	vsub.f32 v9, v12;
	v15 =	vsub.f32 v15, v18;
	v12 =	vld [tilespmem:s26+$0x4C40]  }
0xd6: {  	v5 =	vsub.f32 v20, v5;
	v17 =	vsub.f32 v22, v23;
	v18 =	vld [tilespmem:s26+$0x2C50]  }
0xd7: {  	v20 =	vsub.f32 v30, v31;
	v22 =	vsub.f32 v32, v33;
	v23 =	vld [tilespmem:s26+$0x4C50]  }
0xd8: {  	v30 =	vsub.f32 v34, v35;
	v31 =	vsub.f32 v36, v37;
	v32 =	vld [tilespmem:s26+$0x2C60]  }
0xd9: {  	v10 =	vmul.f32 v10, v16;
	v7 =	vmul.f32 v7, v13;
	v13 =	vsub.f32 v38, v39;
	v16 =	vld [tilespmem:s26+$0x4C60]  }
0xda: {  	v5 =	vmul.f32 v5, v14;
	v11 =	vmul.f32 v17, v11;
	v14 =	vsub.f32 v40, v41;
	v17 =	vld [tilespmem:s26+$0xC20]  }
0xdb: {  	v19 =	vmul.f32 v20, v19;
	v6 =	vmul.f32 v22, v6;
	v8 =	vsub.f32 v8, v12;
	v12 =	vld [tilespmem:s26+$0xC60]  }
0xdc: {  	v4 =	vmul.f32 v30, v4;
	v20 =	vmul.f32 v31, v21;
	v21 =	vld [tilespmem:s26+$0xC30];
	v18 =	vsub.f32 v18, v23  }
0xdd: {  	v22 =	vsub.f32 v26, v27;
	v13 =	vmul.f32 v13, v24;
	v14 =	vmul.f32 v14, v25;
	v23 =	vld [tilespmem:s26+$0xC70]  }
0xde: {  	v8 =	vmul.f32 v8, v28;
	v24 =	vld [tilespmem:s26+$0x2600];
	v18 =	vmul.f32 v18, v29;
	v16 =	vsub.f32 v32, v16  }
0xdf: {  	v6 =	vadd.f32 v6, v19;
	v4 =	vadd.f32 v20, v4;
	v25 =	vld [tilespmem:s26+$0x4600];
	v17 =	vmul.f32 v22, v17  }
0xe0: {  	v13 =	vadd.f32 v14, v13;
	v19 =	vld [tilespmem:s26+$0x2610];
	v8 =	vadd.f32 v18, v8;
	v12 =	vmul.f32 v16, v12  }
0xe1: {  	v5 =	vadd.f32 v5, v6;
	v4 =	vadd.f32 v11, v4;
	v14 =	vld [tilespmem:s26+$0x4610];
	v6 =	vmul.f32 v9, v21  }
0xe2: {  	v11 =	vadd.f32 v17, v13;
	v9 =	vld [tilespmem:s26+$0x2640];
	v8 =	vadd.f32 v12, v8;
	v12 =	vmul.f32 v15, v23  }
0xe3: {  	v5 =	vadd.f32 v10, v5;
	v4 =	vadd.f32 v7, v4;
	v13 =	vld [tilespmem:s26+$0x4640]  }
0xe4: {  	v6 =	vadd.f32 v6, v11;
	v7 =	vld [tilespmem:s26+$0x2650];
	v8 =	vadd.f32 v12, v8  }
0xe5: {  	v10 =	vsub.f32 v24, v25;
	v11 =	vld [tilespmem:s26+$0x4650]  }
0xe6: {  	v4 =	vadd.f32 v4, v5;
	v12 =	vld [tilespmem:s26+$0x2A00];
	v5 =	vadd.f32 v8, v6  }
0xe7: {  	v6 =	vsub.f32 v19, v14;
	v8 =	vld [tilespmem:s26+$0x4A00]  }
0xe8: {  	v14 =	vperm.xlane v4, v0;
	v9 =	vsub.f32 v9, v13;
	v13 =	vld [tilespmem:s26+$0x2A10];
	v15 =	vperm.xlane v5, v0  }
0xe9: {  	v16 =	vld [tilespmem:s26+$0x4A10]  }
0xea: {  	v4 =	vadd.f32 v14, v4;
	v17 =	vld [tilespmem:s26+$0x2A40];
	v5 =	vadd.f32 v5, v15  }
0xeb: {  	v7 =	vsub.f32 v7, v11;
	v11 =	vld [tilespmem:s26+$0x4A40]  }
0xec: {  	s29 =	sadd.s32 $0x20, s29;
	v8 =	vsub.f32 v12, v8;
	v12 =	vld [tilespmem:s26+$0x2A50];
	v4 =	vsel vm2, v4, v5  }
0xed: {  	v5 =	vld [tilespmem:s26+$0x4A50];
	[tilespmem:s29+$0x0] =	vst v4  }
0xee: {  	v4 =	vld [tilespmem:s26+$0x600];
	v13 =	vsub.f32 v13, v16  }
0xef: {  	v14 =	vld [tilespmem:s26+$0x610]  }
0xf0: {  	v15 =	vld [tilespmem:s26+$0x2620];
	v11 =	vsub.f32 v17, v11  }
0xf1: {  	v16 =	vld [tilespmem:s26+$0x4620]  }
0xf2: {  	v17 =	vld [tilespmem:s26+$0x640];
	v12 =	vsub.f32 v12, v5  }
0xf3: {  	v4 =	vmul.f32 v10, v4;
	v5 =	vld [tilespmem:s26+$0x650]  }
0xf4: {  	v6 =	vmul.f32 v6, v14;
	v10 =	vld [tilespmem:s26+$0x2660]  }
0xf5: {  	v14 =	vld [tilespmem:s26+$0x4660]  }
0xf6: {  	v18 =	vadd.f32 v6, v4;
	v15 =	vsub.f32 v15, v16;
	v4 =	vld [tilespmem:s26+$0xA00]  }
0xf7: {  	v6 =	vmul.f32 v9, v17;
	v9 =	vld [tilespmem:s26+$0xA10]  }
0xf8: {  	v5 =	vmul.f32 v7, v5;
	v7 =	vld [tilespmem:s26+$0x2A20]  }
0xf9: {  	v16 =	vld [tilespmem:s26+$0x4A20]  }
0xfa: {  	v5 =	vadd.f32 v5, v6;
	v17 =	vsub.f32 v10, v14;
	v6 =	vld [tilespmem:s26+$0xA40]  }
0xfb: {  	v4 =	vmul.f32 v8, v4;
	v10 =	vld [tilespmem:s26+$0xA50]  }
0xfc: {  	v8 =	vmul.f32 v13, v9;
	v9 =	vld [tilespmem:s26+$0x2A60]  }
0xfd: {  	v13 =	vld [tilespmem:s26+$0x4A60]  }
0xfe: {  	v14 =	vld [tilespmem:s26+$0x620];
	v4 =	vadd.f32 v8, v4;
	v8 =	vsub.f32 v7, v16  }
0xff: {  	v16 =	vld [tilespmem:s26+$0x2630];
	v6 =	vmul.f32 v11, v6  }
0x100: {  	v19 =	vld [tilespmem:s26+$0x4630];
	v7 =	vmul.f32 v12, v10  }
0x101: {  	v20 =	vld [tilespmem:s26+$0x660]  }
0x102: {  	v11 =	vld [tilespmem:s26+$0x2670];
	v6 =	vadd.f32 v7, v6;
	v9 =	vsub.f32 v9, v13  }
.Ltmp5:
0x103: {  	v7 =	vmul.f32 v15, v14;
	v13 =	vld [tilespmem:s26+$0x4670];
	(pc) =	sbr.rel @p1 .LBB2_4-.Ltmp5, $4  }
0x104: {  	v14 =	vld [tilespmem:s26+$0xA20]  }
0x105: {  	v7 =	vadd.f32 v7, v18;
	v10 =	vsub.f32 v16, v19;
	v12 =	vld [tilespmem:s26+$0x2A30]  }
0x106: {  	v17 =	vmul.f32 v17, v20;
	v15 =	vld [tilespmem:s26+$0x4A30]  }
0x107: {  	v16 =	vld [tilespmem:s26+$0xA60]  }
0x108: {  	v18 =	vld [tilespmem:s26+$0x2A70]  }
0x109: {  	v19 =	vld [tilespmem:s26+$0x4A70]  }
0x10a: {  	v20 =	vld [tilespmem:s26+$0x630]  }
0x10b: {  	v21 =	vld [tilespmem:s26+$0x670]  }
0x10c: {  	v22 =	vld [tilespmem:s26+$0xA30]  }
0x10d: {  	v23 =	vld [tilespmem:s26+$0xA70];
	_ =	sdelay $0x1  }
0x10e: {  	v5 =	vadd.f32 v17, v5;
	v11 =	vsub.f32 v11, v13;
	v8 =	vmul.f32 v8, v14  }
0x10f: {  	v12 =	vsub.f32 v12, v15;
	v9 =	vmul.f32 v9, v16;
	v63 =	vsub.f32 v18, v19  }
0x110: {  	v4 =	vadd.f32 v8, v4;
	v8 =	vmul.f32 v10, v20;
	v10 =	vmul.f32 v11, v21  }
0x111: {  	v6 =	vadd.f32 v9, v6;
	v9 =	vmul.f32 v12, v22;
	v11 =	vmul.f32 v63, v23  }
0x112: {  	v7 =	vadd.f32 v8, v7;
	v5 =	vadd.f32 v10, v5  }
0x113: {  	v4 =	vadd.f32 v9, v4;
	v6 =	vadd.f32 v11, v6;
	_ =	sdelay $0x1  }
0x114: {  	v5 =	vadd.f32 v5, v7;
	v4 =	vadd.f32 v6, v4;
	_ =	sdelay $0x1  }
0x115: {  	v6 =	vperm.xlane v5, v0;
	v7 =	vperm.xlane v4, v0;
	_ =	sdelay $0x1  }
0x116: {  	v5 =	vadd.f32 v6, v5;
	v4 =	vadd.f32 v4, v7;
	_ =	sdelay $0x1  }
0x117: {  	v4 =	vsel vm2, v5, v4  }
0x118: {  	[tilespmem:s29+$0xFFFFFFF0] =	vst v4  }
0x119: {  	v10 =	vld [tilespmem:s28+$0xFFFFFFC0]  }
0x11a: {  	v11 =	vld [tilespmem:s28+$0xFFFFFFD0]  }
0x11b: {  	v9 =	vld [tilespmem:s28+$0xFFFFFFE0]  }
0x11c: {  	v8 =	vld [tilespmem:s28+$0xFFFFFFF0]  }
0x11d: {  	v5 =	vld [tilespmem:s28+$0x0]  }
0x11e: {  	v7 =	vld [tilespmem:s28+$0x10]  }
0x11f: {  	v4 =	vld [tilespmem:s28+$0x20]  }
0x120: {  	s25 =	simm.s32 $0x40;
	v6 =	vld [tilespmem:s28+$0x30]  }
.LBB2_6:
0x121: {  	p1 =	sne.s32 s25, $0xC0;
	v12 =	vperm.xlane v10, v1;
	v13 =	vperm.xlane v11, v1  }
0x122: {  	v14 =	vperm.xlane v9, v1  }
0x123: {  	v10 =	vadd.f32 v12, v10;
	v11 =	vadd.f32 v13, v11;
	v12 =	vperm.xlane v8, v1  }
0x124: {  	v9 =	vadd.f32 v14, v9;
	v13 =	vperm.xlane v5, v1;
	v14 =	vperm.xlane v7, v1  }
0x125: {  	v8 =	vadd.f32 v12, v8;
	v12 =	vperm.xlane v4, v1;
	v15 =	vperm.xlane v6, v1  }
0x126: {  	v5 =	vadd.f32 v13, v5;
	v7 =	vadd.f32 v14, v7  }
0x127: {  	v10 =	vsel vm0, v10, v11;
	v4 =	vadd.f32 v12, v4;
	v6 =	vadd.f32 v15, v6  }
0x128: {  	v8 =	vsel vm0, v9, v8;
	v9 =	vperm.xlane v10, v2  }
0x129: {  	v5 =	vsel vm0, v5, v7;
	v4 =	vsel vm0, v4, v6;
	v6 =	vperm.xlane v8, v2  }
0x12a: {  	v7 =	vperm.xlane v5, v2;
	v11 =	vperm.xlane v4, v2  }
0x12b: {  	v9 =	vadd.f32 v9, v10;
	v6 =	vadd.f32 v6, v8  }
0x12c: {  	v5 =	vadd.f32 v7, v5;
	v4 =	vadd.f32 v11, v4;
	_ =	sdelay $0x1  }
0x12d: {  	v6 =	vsel vm1, v9, v6;
	v4 =	vsel vm1, v5, v4  }
0x12e: {  	v5 =	vperm.xlane v6, v3;
	v7 =	vperm.xlane v4, v3;
	_ =	sdelay $0x1  }
0x12f: {  	v5 =	vadd.f32 v5, v6;
	v4 =	vadd.f32 v7, v4  }
0x130: {  	s2 =	sshra.s32 s24, $0x2;
	s24 =	smov.u32 s25  }
0x131: {  	s2 =	sadd.s32 s2, s22;
	v4 =	vsel vm3, v5, v4  }
0x132: {  	s28 =	sadd.s32 $0x80, s28;
	[tilespmem:s2+$0x0] =	vst v4  }
0x133: {  	v10 =	vld [tilespmem:s28+$0xFFFFFFC0]  }
0x134: {  	v11 =	vld [tilespmem:s28+$0xFFFFFFD0]  }
0x135: {  	v9 =	vld [tilespmem:s28+$0xFFFFFFE0]  }
.Ltmp6:
0x136: {  	v8 =	vld [tilespmem:s28+$0xFFFFFFF0];
	(pc) =	sbr.rel @p1 .LBB2_6-.Ltmp6, $4  }
0x137: {  	v5 =	vld [tilespmem:s28+$0x0]  }
0x138: {  	v7 =	vld [tilespmem:s28+$0x10]  }
0x139: {  	v4 =	vld [tilespmem:s28+$0x20]  }
0x13a: {  	s25 =	sadd.s32 $0x40, s25;
	v6 =	vld [tilespmem:s28+$0x30]  }
0x13b: {  	v12 =	vperm.xlane v10, v1  }
0x13c: {  	v13 =	vperm.xlane v11, v1;
	v14 =	vperm.xlane v9, v1  }
0x13d: {  	v56 =	vperm.xlane v8, v1;
	v57 =	vperm.xlane v5, v1;
	v10 =	vadd.f32 v12, v10  }
0x13e: {  	v11 =	vadd.f32 v13, v11;
	v9 =	vadd.f32 v14, v9;
	v58 =	vperm.xlane v7, v1  }
0x13f: {  	v8 =	vadd.f32 v56, v8;
	v59 =	vperm.xlane v4, v1;
	v15 =	vperm.xlane v6, v1  }
0x140: {  	v5 =	vadd.f32 v57, v5;
	v7 =	vadd.f32 v58, v7  }
0x141: {  	v10 =	vsel vm0, v10, v11;
	v4 =	vadd.f32 v59, v4;
	v6 =	vadd.f32 v15, v6  }
0x142: {  	v8 =	vsel vm0, v9, v8;
	v60 =	vperm.xlane v10, v2  }
0x143: {  	v61 =	vperm.xlane v8, v2;
	v5 =	vsel vm0, v5, v7;
	v4 =	vsel vm0, v4, v6  }
0x144: {  	v7 =	vperm.xlane v5, v2;
	v62 =	vperm.xlane v4, v2  }
0x145: {  	v9 =	vadd.f32 v60, v10;
	v6 =	vadd.f32 v61, v8  }
0x146: {  	v5 =	vadd.f32 v7, v5;
	v4 =	vadd.f32 v62, v4;
	_ =	sdelay $0x1  }
0x147: {  	v6 =	vsel vm1, v9, v6;
	v4 =	vsel vm1, v5, v4  }
0x148: {  	v5 =	vperm.xlane v6, v3;
	v63 =	vperm.xlane v4, v3;
	_ =	sdelay $0x1  }
0x149: {  	v5 =	vadd.f32 v5, v6;
	v4 =	vadd.f32 v63, v4  }
0x14a: {  	s2 =	sshra.s32 s24, $0x2  }
0x14b: {  	s2 =	sadd.s32 s2, s22;
	v4 =	vsel vm3, v5, v4  }
0x14c: {  	[tilespmem:s2+$0x0] =	vst v4  }
.LBB2_8:
.Ltmp7:
0x14d: {  	(pc) =	sbr.rel @!p0 .LBB2_14-.Ltmp7, $1  }
0x14e: {  	_ =	sdelay $0x3  }
0x14f: {  	_ =	swait.ge [sflag:s18], $0x2000  }
0x150: {  	[sflag:s18] =	ssyncset.done $0x0  }
0x151: {  	[sflag:s18] =	ssyncadd.s32 $0xFFFFE000  }
0x152: {  	s25 =	simm.s32 $0x0;
	_ =	swait.ge [sflag:s18], $0x2000  }
0x153: {  	s2 =	simm.s32 $0x0;
	s24 =	simm.s32 $0x0;
	[sflag:s18] =	ssyncset.done $0x0  }
0x154: {  	s26 =	sand.u32 $0x2, s25;
	s2 =	sand.u32 $0x1, s2;
	[sflag:s18] =	ssyncadd.s32 $0xFFFFE000  }
0x155: {  	s31 =	sand.u32 $0x30, s24;
	s2 =	sor.u32 s26, s2;
	_ =	swait.ge [sflag:s18], $0x2000  }
0x156: {  	s2 =	sor.u32 s31, s2;
	[sflag:s18] =	ssyncset.done $0x0  }
0x157: {  	s26 =	sshll.u32 s2, $0x7;
	[sflag:s18] =	ssyncadd.s32 $0xFFFFE000  }
0x158: {  	v4 =	vld [tilespmem:s26+$0x6830]  }
0x159: {  	v5 =	vld [tilespmem:s26+$0x6870]  }
0x15a: {  	v6 =	vld [tilespmem:s26+$0x6820]  }
0x15b: {  	v7 =	vld [tilespmem:s26+$0x8830]  }
0x15c: {  	v8 =	vld [tilespmem:s26+$0xA830]  }
0x15d: {  	v9 =	vld [tilespmem:s26+$0x6860]  }
0x15e: {  	v10 =	vld [tilespmem:s26+$0x8870]  }
0x15f: {  	v11 =	vld [tilespmem:s26+$0xA870]  }
0x160: {  	v12 =	vld [tilespmem:s26+$0x8C30]  }
0x161: {  	v13 =	vld [tilespmem:s26+$0xAC30]  }
0x162: {  	v14 =	vld [tilespmem:s26+$0x8C70]  }
0x163: {  	v15 =	vld [tilespmem:s26+$0xAC70]  }
0x164: {  	v16 =	vld [tilespmem:s26+$0x6800]  }
0x165: {  	v17 =	vld [tilespmem:s26+$0x6810]  }
0x166: {  	v18 =	vld [tilespmem:s26+$0x8820]  }
0x167: {  	v19 =	vld [tilespmem:s26+$0xA820]  }
0x168: {  	v20 =	vld [tilespmem:s26+$0x6840]  }
0x169: {  	v21 =	vld [tilespmem:s26+$0x6850]  }
0x16a: {  	v22 =	vld [tilespmem:s26+$0x8860]  }
0x16b: {  	v23 =	vld [tilespmem:s26+$0xA860]  }
0x16c: {  	v24 =	vld [tilespmem:s26+$0x6C00]  }
0x16d: {  	v25 =	vld [tilespmem:s26+$0x6C10]  }
0x16e: {  	v26 =	vld [tilespmem:s26+$0x8C20]  }
0x16f: {  	v27 =	vld [tilespmem:s26+$0xAC20]  }
0x170: {  	v28 =	vld [tilespmem:s26+$0x6C40]  }
0x171: {  	v29 =	vld [tilespmem:s26+$0x6C50]  }
0x172: {  	v30 =	vld [tilespmem:s26+$0x8800]  }
0x173: {  	v31 =	vld [tilespmem:s26+$0xA800]  }
0x174: {  	v32 =	vld [tilespmem:s26+$0x8810]  }
0x175: {  	v33 =	vld [tilespmem:s26+$0xA810]  }
0x176: {  	v34 =	vld [tilespmem:s26+$0x8840]  }
0x177: {  	v35 =	vld [tilespmem:s26+$0xA840]  }
0x178: {  	v36 =	vld [tilespmem:s26+$0x8850]  }
0x179: {  	v37 =	vld [tilespmem:s26+$0xA850]  }
0x17a: {  	v38 =	vld [tilespmem:s26+$0x8C00]  }
0x17b: {  	v39 =	vld [tilespmem:s26+$0xAC00]  }
0x17c: {  	v40 =	vld [tilespmem:s26+$0x8C10]  }
0x17d: {  	v41 =	vld [tilespmem:s26+$0xAC10]  }
0x17e: {  	v42 =	vld [tilespmem:s26+$0x8C40]  }
0x17f: {  	v43 =	vld [tilespmem:s26+$0xAC40]  }
0x180: {  	v44 =	vld [tilespmem:s26+$0x8C50]  }
0x181: {  	v45 =	vld [tilespmem:s26+$0xAC50]  }
0x182: {  	v46 =	vld [tilespmem:s26+$0x8C60]  }
0x183: {  	v47 =	vld [tilespmem:s26+$0xAC60]  }
0x184: {  	v48 =	vld [tilespmem:s26+$0x6C20]  }
0x185: {  	v49 =	vld [tilespmem:s26+$0x6C60]  }
0x186: {  	v50 =	vld [tilespmem:s26+$0x6C30]  }
0x187: {  	v51 =	vld [tilespmem:s26+$0x6C70]  }
0x188: {  	v52 =	vld [tilespmem:s26+$0x8600]  }
0x189: {  	v53 =	vld [tilespmem:s26+$0xA600]  }
0x18a: {  	v54 =	vld [tilespmem:s26+$0x8610]  }
0x18b: {  	v55 =	vld [tilespmem:s26+$0xA610]  }
0x18c: {  	v56 =	vld [tilespmem:s26+$0x8640]  }
0x18d: {  	v57 =	vld [tilespmem:s26+$0xA640]  }
0x18e: {  	v58 =	vld [tilespmem:s26+$0x8650]  }
0x18f: {  	v59 =	vld [tilespmem:s26+$0xA650]  }
0x190: {  	v60 =	vld [tilespmem:s26+$0x8A00]  }
0x191: {  	v61 =	vld [tilespmem:s26+$0xAA00]  }
0x192: {  	v62 =	vld [tilespmem:s26+$0xAA40]  }
0x193: {  	v7 =	vsub.f32 v7, v8;
	v8 =	vsub.f32 v10, v11;
	v10 =	vld [tilespmem:s26+$0x8A10]  }
0x194: {  	v11 =	vsub.f32 v12, v13;
	v12 =	vsub.f32 v14, v15;
	v13 =	vld [tilespmem:s26+$0xAA10]  }
0x195: {  	v14 =	vsub.f32 v18, v19;
	v15 =	vsub.f32 v22, v23;
	v18 =	vld [tilespmem:s26+$0x8A40]  }
0x196: {  	v19 =	vsub.f32 v30, v31;
	v36 =	vsub.f32 v36, v37;
	v37 =	vld [tilespmem:s26+$0x8A50]  }
0x197: {  	v22 =	vsub.f32 v32, v33;
	v56 =	vsub.f32 v56, v57;
	v57 =	vld [tilespmem:s26+$0xAA60]  }
0x198: {  	v63 =	vsub.f32 v34, v35;
	v60 =	vsub.f32 v60, v61;
	v61 =	vld [tilespmem:s26+$0x8630];
	v4 =	vmul.f32 v7, v4  }
0x199: {  	v5 =	vmul.f32 v8, v5;
	v7 =	vsub.f32 v38, v39;
	v8 =	vld [tilespmem:s26+$0xAA50];
	v6 =	vmul.f32 v14, v6  }
0x19a: {  	v9 =	vmul.f32 v15, v9;
	v14 =	vsub.f32 v40, v41;
	v15 =	vld [tilespmem:s26+$0x6600];
	v16 =	vmul.f32 v19, v16  }
0x19b: {  	v17 =	vmul.f32 v22, v17;
	v19 =	vsub.f32 v42, v43;
	v39 =	vld [tilespmem:s26+$0x6610];
	v20 =	vmul.f32 v63, v20  }
0x19c: {  	v21 =	vmul.f32 v36, v21;
	v40 =	vsub.f32 v44, v45;
	v41 =	vld [tilespmem:s26+$0x8620];
	v42 =	vsub.f32 v26, v27  }
0x19d: {  	v43 =	vld [tilespmem:s26+$0xA620];
	v45 =	vsub.f32 v46, v47;
	v7 =	vmul.f32 v7, v24;
	v14 =	vmul.f32 v14, v25  }
0x19e: {  	v46 =	vld [tilespmem:s26+$0x6640];
	v19 =	vmul.f32 v19, v28;
	v44 =	vmul.f32 v40, v29;
	v16 =	vadd.f32 v17, v16  }
0x19f: {  	v63 =	vld [tilespmem:s26+$0x6660];
	v17 =	vadd.f32 v21, v20;
	v47 =	vmul.f32 v42, v48;
	v18 =	vsub.f32 v18, v62  }
0x1a0: {  	v48 =	vld [tilespmem:s26+$0x6650];
	v7 =	vadd.f32 v14, v7;
	v14 =	vadd.f32 v44, v19;
	v19 =	vmul.f32 v45, v49  }
0x1a1: {  	v11 =	vmul.f32 v11, v50;
	v62 =	vld [tilespmem:s26+$0xA630];
	v6 =	vadd.f32 v6, v16;
	v9 =	vadd.f32 v9, v17  }
0x1a2: {  	v12 =	vmul.f32 v12, v51;
	v49 =	vld [tilespmem:s26+$0x8660];
	v7 =	vadd.f32 v47, v7;
	v14 =	vadd.f32 v19, v14  }
0x1a3: {  	v16 =	vld [tilespmem:s26+$0xA660];
	v4 =	vadd.f32 v4, v6;
	v5 =	vadd.f32 v5, v9  }
0x1a4: {  	v17 =	vld [tilespmem:s26+$0x6A00];
	v7 =	vadd.f32 v11, v7;
	v9 =	vadd.f32 v12, v14  }
0x1a5: {  	v6 =	vld [tilespmem:s26+$0x6A10];
	v4 =	vadd.f32 v5, v4  }
0x1a6: {  	v19 =	vld [tilespmem:s26+$0xAA20];
	v5 =	vadd.f32 v9, v7  }
0x1a7: {  	v10 =	vsub.f32 v10, v13;
	v14 =	vld [tilespmem:s26+$0x6A50];
	v9 =	vperm.xlane v4, v0  }
0x1a8: {  	v11 =	vsub.f32 v52, v53;
	v53 =	vsub.f32 v54, v55;
	v7 =	vld [tilespmem:s26+$0x6A40];
	v54 =	vperm.xlane v5, v0  }
0x1a9: {  	v9 =	vadd.f32 v9, v4;
	v4 =	vsub.f32 v58, v59;
	v59 =	vld [tilespmem:s26+$0x6620]  }
0x1aa: {  	v12 =	vld [tilespmem:s26+$0x8A20];
	v26 =	vadd.f32 v5, v54;
	v5 =	vmul.f32 v11, v15;
	v11 =	vmul.f32 v53, v39  }
0x1ab: {  	v8 =	vsub.f32 v37, v8;
	v13 =	vmul.f32 v56, v46;
	v55 =	vld [tilespmem:s26+$0x8A60];
	v4 =	vmul.f32 v4, v48  }
0x1ac: {  	v6 =	vmul.f32 v10, v6;
	v15 =	vsub.f32 v41, v43;
	v22 =	vadd.f32 v11, v5;
	v11 =	vld [tilespmem:s26+$0x8670]  }
0x1ad: {  	v10 =	vmul.f32 v8, v14;
	v5 =	vadd.f32 v4, v13;
	v4 =	vmul.f32 v60, v17;
	v13 =	vld [tilespmem:s26+$0xA670]  }
0x1ae: {  	v16 =	vsub.f32 v49, v16;
	v14 =	vld [tilespmem:s26+$0x6A20];
	v7 =	vmul.f32 v18, v7;
	v17 =	vmul.f32 v15, v59  }
0x1af: {  	v8 =	vsub.f32 v12, v19;
	v12 =	vld [tilespmem:s26+$0x8A30];
	v18 =	vsel vm2, v9, v26;
	v4 =	vadd.f32 v6, v4  }
0x1b0: {  	s29 =	simm.s32 $0xC810;
	v15 =	vld [tilespmem:s26+$0xAA30];
	v6 =	vadd.f32 v10, v7;
	v7 =	vadd.f32 v17, v22;
	v17 =	vmul.f32 v16, v63  }
0x1b1: {  	s28 =	simm.s32 $0xC840;
	s30 =	simm.s32 $0x0;
	v9 =	vsub.f32 v55, v57;
	[tilespmem:s29+$0x0] =	vst v18;
	v10 =	vsub.f32 v61, v62;
	v16 =	vld [tilespmem:s26+$0x6A60]  }
.LBB2_10:
0x1b2: {  	s25 =	sadd.s32 $0x2, s25;
	v5 =	vadd.f32 v17, v5;
	v11 =	vsub.f32 v11, v13;
	v13 =	vld [tilespmem:s26+$0x8A70]  }
0x1b3: {  	s2 =	sshrl.u32 s25, $0x2;
	p0 =	slt.u32 s25, $0x1E;
	v8 =	vmul.f32 v8, v14;
	v14 =	vld [tilespmem:s26+$0xAA70]  }
0x1b4: {  	s30 =	sadd.s32 $0x4, s30;
	s31 =	sand.u32 $0x2, s25;
	s2 =	sand.u32 $0x1, s2;
	v17 =	vld [tilespmem:s26+$0x6630]  }
0x1b5: {  	s2 =	sor.u32 s31, s2;
	s31 =	sand.u32 $0x30, s30;
	v18 =	vld [tilespmem:s26+$0x6670];
	v4 =	vadd.f32 v8, v4;
	v8 =	vsub.f32 v12, v15  }
0x1b6: {  	s2 =	sor.u32 s31, s2;
	v12 =	vld [tilespmem:s26+$0x6A30];
	v9 =	vmul.f32 v9, v16  }
0x1b7: {  	v15 =	vld [tilespmem:s26+$0x6A70];
	s26 =	sshll.u32 s2, $0x7  }
0x1b8: {  	v16 =	vld [tilespmem:s26+$0x6830];
	v6 =	vadd.f32 v9, v6;
	v9 =	vsub.f32 v13, v14  }
0x1b9: {  	v13 =	vld [tilespmem:s26+$0x6870];
	v10 =	vmul.f32 v10, v17  }
0x1ba: {  	v14 =	vld [tilespmem:s26+$0x6820];
	v11 =	vmul.f32 v11, v18  }
0x1bb: {  	v17 =	vld [tilespmem:s26+$0x8830];
	v7 =	vadd.f32 v10, v7;
	v8 =	vmul.f32 v8, v12  }
0x1bc: {  	v10 =	vld [tilespmem:s26+$0xA830];
	v5 =	vadd.f32 v11, v5;
	v9 =	vmul.f32 v9, v15  }
0x1bd: {  	v11 =	vld [tilespmem:s26+$0x6860];
	v4 =	vadd.f32 v8, v4  }
0x1be: {  	v8 =	vld [tilespmem:s26+$0x8870];
	v5 =	vadd.f32 v5, v7;
	v6 =	vadd.f32 v9, v6  }
0x1bf: {  	v7 =	vld [tilespmem:s26+$0xA870]  }
0x1c0: {  	v9 =	vld [tilespmem:s26+$0x8C30];
	v4 =	vadd.f32 v6, v4;
	v6 =	vperm.xlane v5, v0  }
0x1c1: {  	v12 =	vld [tilespmem:s26+$0xAC30]  }
0x1c2: {  	v15 =	vld [tilespmem:s26+$0x8C70];
	v5 =	vadd.f32 v6, v5;
	v6 =	vperm.xlane v4, v0  }
0x1c3: {  	v18 =	vld [tilespmem:s26+$0xAC70]  }
0x1c4: {  	v19 =	vld [tilespmem:s26+$0x6800];
	v4 =	vadd.f32 v4, v6  }
0x1c5: {  	v6 =	vld [tilespmem:s26+$0x6810]  }
0x1c6: {  	v20 =	vld [tilespmem:s26+$0x8820];
	v4 =	vsel vm2, v5, v4  }
0x1c7: {  	v5 =	vld [tilespmem:s26+$0xA820];
	[tilespmem:s29+$0xFFFFFFF0] =	vst v4  }
0x1c8: {  	v4 =	vld [tilespmem:s26+$0x6840]  }
0x1c9: {  	v21 =	vld [tilespmem:s26+$0x6850]  }
0x1ca: {  	v22 =	vld [tilespmem:s26+$0x8860]  }
0x1cb: {  	v23 =	vld [tilespmem:s26+$0xA860]  }
0x1cc: {  	v24 =	vld [tilespmem:s26+$0x6C00]  }
0x1cd: {  	v25 =	vld [tilespmem:s26+$0x6C10]  }
0x1ce: {  	v26 =	vld [tilespmem:s26+$0x8C20]  }
0x1cf: {  	v27 =	vld [tilespmem:s26+$0xAC20]  }
0x1d0: {  	v28 =	vld [tilespmem:s26+$0x6C40]  }
0x1d1: {  	v29 =	vld [tilespmem:s26+$0x6C50]  }
0x1d2: {  	v30 =	vld [tilespmem:s26+$0x8800]  }
0x1d3: {  	v31 =	vld [tilespmem:s26+$0xA800]  }
0x1d4: {  	v32 =	vld [tilespmem:s26+$0x8810]  }
0x1d5: {  	v33 =	vld [tilespmem:s26+$0xA810]  }
0x1d6: {  	v34 =	vld [tilespmem:s26+$0x8840]  }
0x1d7: {  	v35 =	vld [tilespmem:s26+$0xA840]  }
0x1d8: {  	v36 =	vld [tilespmem:s26+$0x8850]  }
0x1d9: {  	v37 =	vld [tilespmem:s26+$0xA850]  }
0x1da: {  	v38 =	vld [tilespmem:s26+$0x8C00]  }
0x1db: {  	v39 =	vld [tilespmem:s26+$0xAC00]  }
0x1dc: {  	v40 =	vld [tilespmem:s26+$0x8C10]  }
0x1dd: {  	v41 =	vld [tilespmem:s26+$0xAC10]  }
0x1de: {  	v10 =	vsub.f32 v17, v10;
	v7 =	vsub.f32 v8, v7;
	v8 =	vld [tilespmem:s26+$0x8C40]  }
0x1df: {  	v9 =	vsub.f32 v9, v12;
	v15 =	vsub.f32 v15, v18;
	v12 =	vld [tilespmem:s26+$0xAC40]  }
0x1e0: {  	v5 =	vsub.f32 v20, v5;
	v17 =	vsub.f32 v22, v23;
	v18 =	vld [tilespmem:s26+$0x8C50]  }
0x1e1: {  	v20 =	vsub.f32 v30, v31;
	v22 =	vsub.f32 v32, v33;
	v23 =	vld [tilespmem:s26+$0xAC50]  }
0x1e2: {  	v30 =	vsub.f32 v34, v35;
	v31 =	vsub.f32 v36, v37;
	v32 =	vld [tilespmem:s26+$0x8C60]  }
0x1e3: {  	v10 =	vmul.f32 v10, v16;
	v7 =	vmul.f32 v7, v13;
	v13 =	vsub.f32 v38, v39;
	v16 =	vld [tilespmem:s26+$0xAC60]  }
0x1e4: {  	v5 =	vmul.f32 v5, v14;
	v11 =	vmul.f32 v17, v11;
	v14 =	vsub.f32 v40, v41;
	v17 =	vld [tilespmem:s26+$0x6C20]  }
0x1e5: {  	v19 =	vmul.f32 v20, v19;
	v6 =	vmul.f32 v22, v6;
	v8 =	vsub.f32 v8, v12;
	v12 =	vld [tilespmem:s26+$0x6C60]  }
0x1e6: {  	v4 =	vmul.f32 v30, v4;
	v20 =	vmul.f32 v31, v21;
	v21 =	vld [tilespmem:s26+$0x6C30];
	v18 =	vsub.f32 v18, v23  }
0x1e7: {  	v22 =	vsub.f32 v26, v27;
	v13 =	vmul.f32 v13, v24;
	v14 =	vmul.f32 v14, v25;
	v23 =	vld [tilespmem:s26+$0x6C70]  }
0x1e8: {  	v8 =	vmul.f32 v8, v28;
	v24 =	vld [tilespmem:s26+$0x8600];
	v18 =	vmul.f32 v18, v29;
	v16 =	vsub.f32 v32, v16  }
0x1e9: {  	v6 =	vadd.f32 v6, v19;
	v4 =	vadd.f32 v20, v4;
	v25 =	vld [tilespmem:s26+$0xA600];
	v17 =	vmul.f32 v22, v17  }
0x1ea: {  	v13 =	vadd.f32 v14, v13;
	v19 =	vld [tilespmem:s26+$0x8610];
	v8 =	vadd.f32 v18, v8;
	v12 =	vmul.f32 v16, v12  }
0x1eb: {  	v5 =	vadd.f32 v5, v6;
	v4 =	vadd.f32 v11, v4;
	v14 =	vld [tilespmem:s26+$0xA610];
	v6 =	vmul.f32 v9, v21  }
0x1ec: {  	v11 =	vadd.f32 v17, v13;
	v9 =	vld [tilespmem:s26+$0x8640];
	v8 =	vadd.f32 v12, v8;
	v12 =	vmul.f32 v15, v23  }
0x1ed: {  	v5 =	vadd.f32 v10, v5;
	v4 =	vadd.f32 v7, v4;
	v13 =	vld [tilespmem:s26+$0xA640]  }
0x1ee: {  	v6 =	vadd.f32 v6, v11;
	v7 =	vld [tilespmem:s26+$0x8650];
	v8 =	vadd.f32 v12, v8  }
0x1ef: {  	v10 =	vsub.f32 v24, v25;
	v11 =	vld [tilespmem:s26+$0xA650]  }
0x1f0: {  	v4 =	vadd.f32 v4, v5;
	v12 =	vld [tilespmem:s26+$0x8A00];
	v5 =	vadd.f32 v8, v6  }
0x1f1: {  	v6 =	vsub.f32 v19, v14;
	v8 =	vld [tilespmem:s26+$0xAA00]  }
0x1f2: {  	v14 =	vperm.xlane v4, v0;
	v9 =	vsub.f32 v9, v13;
	v13 =	vld [tilespmem:s26+$0x8A10];
	v15 =	vperm.xlane v5, v0  }
0x1f3: {  	v16 =	vld [tilespmem:s26+$0xAA10]  }
0x1f4: {  	v4 =	vadd.f32 v14, v4;
	v17 =	vld [tilespmem:s26+$0x8A40];
	v5 =	vadd.f32 v5, v15  }
0x1f5: {  	v7 =	vsub.f32 v7, v11;
	v11 =	vld [tilespmem:s26+$0xAA40]  }
0x1f6: {  	s29 =	sadd.s32 $0x20, s29;
	v8 =	vsub.f32 v12, v8;
	v12 =	vld [tilespmem:s26+$0x8A50];
	v4 =	vsel vm2, v4, v5  }
0x1f7: {  	v5 =	vld [tilespmem:s26+$0xAA50];
	[tilespmem:s29+$0x0] =	vst v4  }
0x1f8: {  	v4 =	vld [tilespmem:s26+$0x6600];
	v13 =	vsub.f32 v13, v16  }
0x1f9: {  	v14 =	vld [tilespmem:s26+$0x6610]  }
0x1fa: {  	v15 =	vld [tilespmem:s26+$0x8620];
	v11 =	vsub.f32 v17, v11  }
0x1fb: {  	v16 =	vld [tilespmem:s26+$0xA620]  }
0x1fc: {  	v17 =	vld [tilespmem:s26+$0x6640];
	v12 =	vsub.f32 v12, v5  }
0x1fd: {  	v4 =	vmul.f32 v10, v4;
	v5 =	vld [tilespmem:s26+$0x6650]  }
0x1fe: {  	v6 =	vmul.f32 v6, v14;
	v10 =	vld [tilespmem:s26+$0x8660]  }
0x1ff: {  	v14 =	vld [tilespmem:s26+$0xA660]  }
0x200: {  	v18 =	vadd.f32 v6, v4;
	v15 =	vsub.f32 v15, v16;
	v4 =	vld [tilespmem:s26+$0x6A00]  }
0x201: {  	v6 =	vmul.f32 v9, v17;
	v9 =	vld [tilespmem:s26+$0x6A10]  }
0x202: {  	v5 =	vmul.f32 v7, v5;
	v7 =	vld [tilespmem:s26+$0x8A20]  }
0x203: {  	v16 =	vld [tilespmem:s26+$0xAA20]  }
0x204: {  	v5 =	vadd.f32 v5, v6;
	v17 =	vsub.f32 v10, v14;
	v6 =	vld [tilespmem:s26+$0x6A40]  }
0x205: {  	v4 =	vmul.f32 v8, v4;
	v10 =	vld [tilespmem:s26+$0x6A50]  }
0x206: {  	v8 =	vmul.f32 v13, v9;
	v9 =	vld [tilespmem:s26+$0x8A60]  }
0x207: {  	v13 =	vld [tilespmem:s26+$0xAA60]  }
0x208: {  	v14 =	vld [tilespmem:s26+$0x6620];
	v4 =	vadd.f32 v8, v4;
	v8 =	vsub.f32 v7, v16  }
0x209: {  	v16 =	vld [tilespmem:s26+$0x8630];
	v6 =	vmul.f32 v11, v6  }
0x20a: {  	v19 =	vld [tilespmem:s26+$0xA630];
	v7 =	vmul.f32 v12, v10  }
0x20b: {  	v20 =	vld [tilespmem:s26+$0x6660]  }
0x20c: {  	v11 =	vld [tilespmem:s26+$0x8670];
	v6 =	vadd.f32 v7, v6;
	v9 =	vsub.f32 v9, v13  }
.Ltmp8:
0x20d: {  	v7 =	vmul.f32 v15, v14;
	v13 =	vld [tilespmem:s26+$0xA670];
	(pc) =	sbr.rel @p0 .LBB2_10-.Ltmp8, $4  }
0x20e: {  	v14 =	vld [tilespmem:s26+$0x6A20]  }
0x20f: {  	v7 =	vadd.f32 v7, v18;
	v10 =	vsub.f32 v16, v19;
	v12 =	vld [tilespmem:s26+$0x8A30]  }
0x210: {  	v17 =	vmul.f32 v17, v20;
	v15 =	vld [tilespmem:s26+$0xAA30]  }
0x211: {  	v16 =	vld [tilespmem:s26+$0x6A60]  }
0x212: {  	v18 =	vld [tilespmem:s26+$0x8A70]  }
0x213: {  	v19 =	vld [tilespmem:s26+$0xAA70]  }
0x214: {  	v20 =	vld [tilespmem:s26+$0x6630]  }
0x215: {  	v21 =	vld [tilespmem:s26+$0x6670]  }
0x216: {  	v22 =	vld [tilespmem:s26+$0x6A30]  }
0x217: {  	v23 =	vld [tilespmem:s26+$0x6A70];
	_ =	sdelay $0x1  }
0x218: {  	v5 =	vadd.f32 v17, v5;
	v11 =	vsub.f32 v11, v13;
	v8 =	vmul.f32 v8, v14  }
0x219: {  	v12 =	vsub.f32 v12, v15;
	v9 =	vmul.f32 v9, v16;
	v63 =	vsub.f32 v18, v19  }
0x21a: {  	v4 =	vadd.f32 v8, v4;
	v8 =	vmul.f32 v10, v20;
	v10 =	vmul.f32 v11, v21  }
0x21b: {  	v6 =	vadd.f32 v9, v6;
	v9 =	vmul.f32 v12, v22;
	v11 =	vmul.f32 v63, v23  }
0x21c: {  	v7 =	vadd.f32 v8, v7;
	v5 =	vadd.f32 v10, v5  }
0x21d: {  	v4 =	vadd.f32 v9, v4;
	v6 =	vadd.f32 v11, v6;
	_ =	sdelay $0x1  }
0x21e: {  	v5 =	vadd.f32 v5, v7;
	v4 =	vadd.f32 v6, v4;
	_ =	sdelay $0x1  }
0x21f: {  	v6 =	vperm.xlane v5, v0;
	v7 =	vperm.xlane v4, v0;
	_ =	sdelay $0x1  }
0x220: {  	v5 =	vadd.f32 v6, v5;
	v4 =	vadd.f32 v4, v7;
	_ =	sdelay $0x1  }
0x221: {  	v4 =	vsel vm2, v5, v4  }
0x222: {  	[tilespmem:s29+$0xFFFFFFF0] =	vst v4  }
0x223: {  	v10 =	vld [tilespmem:s28+$0xFFFFFFC0]  }
0x224: {  	v11 =	vld [tilespmem:s28+$0xFFFFFFD0]  }
0x225: {  	v9 =	vld [tilespmem:s28+$0xFFFFFFE0]  }
0x226: {  	v8 =	vld [tilespmem:s28+$0xFFFFFFF0]  }
0x227: {  	v5 =	vld [tilespmem:s28+$0x0]  }
0x228: {  	v7 =	vld [tilespmem:s28+$0x10]  }
0x229: {  	v4 =	vld [tilespmem:s28+$0x20]  }
0x22a: {  	s25 =	simm.s32 $0x40;
	v6 =	vld [tilespmem:s28+$0x30]  }
.LBB2_12:
0x22b: {  	p0 =	sne.s32 s25, $0xC0;
	v12 =	vperm.xlane v10, v1;
	v13 =	vperm.xlane v11, v1  }
0x22c: {  	v14 =	vperm.xlane v9, v1  }
0x22d: {  	v10 =	vadd.f32 v12, v10;
	v11 =	vadd.f32 v13, v11;
	v12 =	vperm.xlane v8, v1  }
0x22e: {  	v9 =	vadd.f32 v14, v9;
	v13 =	vperm.xlane v5, v1;
	v14 =	vperm.xlane v7, v1  }
0x22f: {  	v8 =	vadd.f32 v12, v8;
	v12 =	vperm.xlane v4, v1;
	v15 =	vperm.xlane v6, v1  }
0x230: {  	v5 =	vadd.f32 v13, v5;
	v7 =	vadd.f32 v14, v7  }
0x231: {  	v10 =	vsel vm0, v10, v11;
	v4 =	vadd.f32 v12, v4;
	v6 =	vadd.f32 v15, v6  }
0x232: {  	v8 =	vsel vm0, v9, v8;
	v9 =	vperm.xlane v10, v2  }
0x233: {  	v5 =	vsel vm0, v5, v7;
	v4 =	vsel vm0, v4, v6;
	v6 =	vperm.xlane v8, v2  }
0x234: {  	v7 =	vperm.xlane v5, v2;
	v11 =	vperm.xlane v4, v2  }
0x235: {  	v9 =	vadd.f32 v9, v10;
	v6 =	vadd.f32 v6, v8  }
0x236: {  	v5 =	vadd.f32 v7, v5;
	v4 =	vadd.f32 v11, v4;
	_ =	sdelay $0x1  }
0x237: {  	v6 =	vsel vm1, v9, v6;
	v4 =	vsel vm1, v5, v4  }
0x238: {  	v5 =	vperm.xlane v6, v3;
	v7 =	vperm.xlane v4, v3;
	_ =	sdelay $0x1  }
0x239: {  	v5 =	vadd.f32 v5, v6;
	v4 =	vadd.f32 v7, v4  }
0x23a: {  	s2 =	sshra.s32 s24, $0x2;
	s24 =	smov.u32 s25  }
0x23b: {  	s2 =	sadd.s32 s2, s22;
	v4 =	vsel vm3, v5, v4  }
0x23c: {  	s28 =	sadd.s32 $0x80, s28;
	[tilespmem:s2+$0x0] =	vst v4  }
0x23d: {  	v10 =	vld [tilespmem:s28+$0xFFFFFFC0]  }
0x23e: {  	v11 =	vld [tilespmem:s28+$0xFFFFFFD0]  }
0x23f: {  	v9 =	vld [tilespmem:s28+$0xFFFFFFE0]  }
.Ltmp9:
0x240: {  	v8 =	vld [tilespmem:s28+$0xFFFFFFF0];
	(pc) =	sbr.rel @p0 .LBB2_12-.Ltmp9, $4  }
0x241: {  	v5 =	vld [tilespmem:s28+$0x0]  }
0x242: {  	v7 =	vld [tilespmem:s28+$0x10]  }
0x243: {  	v4 =	vld [tilespmem:s28+$0x20]  }
0x244: {  	s25 =	sadd.s32 $0x40, s25;
	v6 =	vld [tilespmem:s28+$0x30]  }
0x245: {  	v12 =	vperm.xlane v10, v1  }
0x246: {  	v13 =	vperm.xlane v11, v1;
	v14 =	vperm.xlane v9, v1  }
0x247: {  	v56 =	vperm.xlane v8, v1;
	v57 =	vperm.xlane v5, v1;
	v10 =	vadd.f32 v12, v10  }
0x248: {  	v11 =	vadd.f32 v13, v11;
	v9 =	vadd.f32 v14, v9;
	v58 =	vperm.xlane v7, v1  }
0x249: {  	v8 =	vadd.f32 v56, v8;
	v59 =	vperm.xlane v4, v1;
	v15 =	vperm.xlane v6, v1  }
0x24a: {  	v5 =	vadd.f32 v57, v5;
	v7 =	vadd.f32 v58, v7  }
0x24b: {  	v10 =	vsel vm0, v10, v11;
	v4 =	vadd.f32 v59, v4;
	v6 =	vadd.f32 v15, v6  }
0x24c: {  	v8 =	vsel vm0, v9, v8;
	v60 =	vperm.xlane v10, v2  }
0x24d: {  	v61 =	vperm.xlane v8, v2;
	v5 =	vsel vm0, v5, v7;
	v4 =	vsel vm0, v4, v6  }
0x24e: {  	v7 =	vperm.xlane v5, v2;
	v62 =	vperm.xlane v4, v2  }
0x24f: {  	v9 =	vadd.f32 v60, v10;
	v6 =	vadd.f32 v61, v8  }
0x250: {  	v5 =	vadd.f32 v7, v5;
	v4 =	vadd.f32 v62, v4;
	_ =	sdelay $0x1  }
0x251: {  	v6 =	vsel vm1, v9, v6;
	v4 =	vsel vm1, v5, v4  }
0x252: {  	v5 =	vperm.xlane v6, v3;
	v63 =	vperm.xlane v4, v3  }
.Ltmp10:
0x253: {  	_ = 	snop;
	(pc) =	sbr.rel .LBB2_14-.Ltmp10, $4  }
0x254: {  	v5 =	vadd.f32 v5, v6;
	v4 =	vadd.f32 v63, v4  }
0x255: {  	s2 =	sshra.s32 s24, $0x2  }
0x256: {  	s2 =	sadd.s32 s2, s22;
	v4 =	vsel vm3, v5, v4  }
0x257: {  	[tilespmem:s2+$0x0] =	vst v4  }
.LBB2_16:
0x258: {  	_ =	sfence.sel $0x180000  }
0x259: {  	[bflag:$0x0] =	sbarrier.arrive $0xFFFF  }
0x25a: {  	_ =	strace $0x90000047  }
0x25b: {  	[bflag:$0x2] =	sbarrier.arrive $0xFFFF  }
0x25c: {  	p0 =	sne.s32 s4, $0x0;
	s0 =	rddreg [dreg:$0x6]  }
0x25d: {  	s0 =	sadd.s32 @!p0 $0x100000, s0  }
0x25e: {  	[sflag:s0] =	ssyncadd.tile.s32 @!p0 $0x1;
	_ =	shalt  }
.Lfunc_end2:
_tile_overlayer_lowered:
.L_overlay_start_2:
0x25f: {  	(tag) =	ssettag $0x2  }
0x260: {  	s0 =	rddreg [dreg:$0x0];
	s2 =	stileid.u32  }
0x261: {  	s1 =	rddreg [dreg:$0x1];
	p0 =	sne.s32 s2, $0x0  }
0x262: {  	s3 =	rddreg [dreg:$0x2];
	[bflag:$0x3] =	sbarrier.arrive $0xFFFF;
	s2 =	simm.s32 @!p0 $0x1C04  }
0x263: {  	[timem:s3], [sflag:s2] =	dma.local @!p0 [hbm:s0], s1  }
0x264: {  	s0 =	simm.s32 @!p0 $0x4  }
0x265: {  	_ =	swait.ge @!p0 [sflag:s0], s1  }
0x266: {  	s1 =	ssub.s32 @!p0 $0x0, s1;
	[sflag:s0] =	ssyncset.done @!p0 $0x0  }
0x267: {  	[sflag:s0] =	ssyncadd.s32 @!p0 s1  }
0x268: {  	[bflag:$0x3] =	sbarrier.arrive $0xFFFF  }
0x269: {  	_ =	shalt  }

</sc_bundles>
